<compile_context>
chip_gen: v7x
topology: tpu7x:2x2x1
jax: 0.10.2.dev20260603
libtpu: 0.0.44.dev20260713+nightly
codegen_flags: <defaults>
</compile_context>

<pallas_src>
import functools

import jax
import jax.numpy as jnp
from jax import lax
from jax.experimental import pallas as pl
from jax.experimental.pallas import tpu as pltpu
from jax.experimental.pallas import tpu_sc as plsc

N = 10000
E = 320000
DIN, DHID, DOUT = 128, 64, 32
D = 128

NC, NS, LANES = 2, 16, 16
NW = NC * NS
CHUNK = 128
NCH = 80
E_PAD = NW * NCH * CHUNK
NACC = 10240
RPT = NACC // NS
ZR = 32
BLK = 1024


def _sc_mesh():
    return plsc.VectorSubcoreMesh(
        core_axis_name="c", subcore_axis_name="s",
        num_cores=NC, num_subcores=NS)


def _seg_sum_body(y_hbm, src_hbm, dst_hbm, out_hbm,
                  acc, srcv, dstv, rows, zbuf):
    cid = lax.axis_index("c")
    sid = lax.axis_index("s")
    wid = sid * NC + cid

    zvec = jnp.zeros((LANES,), jnp.float32)

    def zrow(i, carry):
        for k in range(D // LANES):
            zbuf[i, pl.ds(k * LANES, LANES)] = zvec
        return carry

    lax.fori_loop(0, ZR, zrow, 0)

    def zcopy(t, carry):
        pltpu.sync_copy(zbuf, acc.at[pl.ds(sid * RPT + t * ZR, ZR)])
        return carry

    lax.fori_loop(0, RPT // ZR, zcopy, 0)
    plsc.subcore_barrier()

    def chunk_body(j, carry):
        pltpu.sync_copy(src_hbm.at[wid, j], srcv)
        pltpu.sync_copy(dst_hbm.at[wid, j], dstv)
        pltpu.sync_copy(y_hbm.at[srcv], rows)
        pltpu.sync_copy(rows, acc.at[dstv], add=True)
        return carry

    lax.fori_loop(0, NCH, chunk_body, 0)

    plsc.subcore_barrier()
    sl = pl.ds(sid * RPT, RPT)
    pltpu.sync_copy(acc.at[sl], out_hbm.at[cid, sl])


def _seg_sum_sc(y, src3, dst3):
    fn = pl.kernel(
        _seg_sum_body,
        out_type=jax.ShapeDtypeStruct((NC, NACC, D), jnp.float32),
        mesh=_sc_mesh(),
        scratch_types=[
            pltpu.VMEM_SHARED((NACC, D), jnp.float32),
            pltpu.VMEM((CHUNK,), jnp.int32),
            pltpu.VMEM((CHUNK,), jnp.int32),
            pltpu.VMEM((CHUNK, D), jnp.float32),
            pltpu.VMEM((ZR, D), jnp.float32),
        ],
    )
    return fn(y, src3, dst3)


def _deg_body(dst_hbm, out_hbm, accd, dstv, ones, zdeg):
    cid = lax.axis_index("c")
    sid = lax.axis_index("s")
    wid = sid * NC + cid

    zvec = jnp.zeros((LANES,), jnp.float32)
    onev = jnp.ones((LANES,), jnp.float32)

    def orow(i, carry):
        for k in range(D // LANES):
            ones[i, pl.ds(k * LANES, LANES)] = onev
            zdeg[i % ZR, pl.ds(k * LANES, LANES)] = zvec
        return carry

    lax.fori_loop(0, CHUNK, orow, 0)

    def zcopy(t, carry):
        pltpu.sync_copy(zdeg, accd.at[pl.ds(sid * RPT + t * ZR, ZR)])
        return carry

    lax.fori_loop(0, RPT // ZR, zcopy, 0)
    plsc.subcore_barrier()

    def chunk_body(j, carry):
        pltpu.sync_copy(dst_hbm.at[wid, j], dstv)
        pltpu.sync_copy(ones, accd.at[dstv], add=True)
        return carry

    lax.fori_loop(0, NCH, chunk_body, 0)

    plsc.subcore_barrier()
    sl = pl.ds(sid * RPT, RPT)
    pltpu.sync_copy(accd.at[sl], out_hbm.at[cid, sl])


def _deg_sc(dst3):
    fn = pl.kernel(
        _deg_body,
        out_type=jax.ShapeDtypeStruct((NC, NACC, D), jnp.float32),
        mesh=_sc_mesh(),
        scratch_types=[
            pltpu.VMEM_SHARED((NACC, D), jnp.float32),
            pltpu.VMEM((CHUNK,), jnp.int32),
            pltpu.VMEM((CHUNK, D), jnp.float32),
            pltpu.VMEM((ZR, D), jnp.float32),
        ],
    )
    return fn(dst3)


def _tc1_body(s_ref, d_ref, x_ref, wl_ref, wr_ref, b_ref, h_ref):
    s = s_ref[0] + s_ref[1]
    deg = d_ref[0, :, 0:1] + d_ref[1, :, 0:1]
    mean = s / jnp.maximum(deg, 1.0)
    h = jnp.maximum(
        jnp.dot(mean, wl_ref[...], preferred_element_type=jnp.float32)
        + jnp.dot(x_ref[...], wr_ref[...], preferred_element_type=jnp.float32)
        + b_ref[...], 0.0)
    h_ref[...] = jnp.concatenate([h, h], axis=1)


def _tc2_body(s_ref, d_ref, h_ref, wl_ref, wr_ref, b_ref, out_ref):
    s = s_ref[0] + s_ref[1]
    deg = d_ref[0, :, 0:1] + d_ref[1, :, 0:1]
    mean = s / jnp.maximum(deg, 1.0)
    out_ref[...] = (
        jnp.dot(mean, wl_ref[...], preferred_element_type=jnp.float32)
        + jnp.dot(h_ref[...], wr_ref[...], preferred_element_type=jnp.float32)
        + b_ref[...])


def kernel(x, edge_index, W1_l, W1_r, b1, W2_l, W2_r, b2):
    ei = edge_index.astype(jnp.int32)
    pad_idx = N + (jnp.arange(E_PAD - E, dtype=jnp.int32) % (NACC - N))
    src_p = jnp.concatenate([ei[0], pad_idx])
    dst_p = jnp.concatenate([ei[1], pad_idx])
    src3 = src_p.reshape(NW, NCH, CHUNK)
    dst3 = dst_p.reshape(NW, NCH, CHUNK)

    x_pad = jnp.concatenate(
        [x, jnp.zeros((NACC - N, DIN), jnp.float32)], axis=0)
    b1r = b1.reshape(1, DHID)
    W2l2 = jnp.concatenate([W2_l, W2_l], axis=0) * 0.5
    W2r2 = jnp.concatenate([W2_r, W2_r], axis=0) * 0.5
    b2r = b2.reshape(1, DOUT)

    grid = (NACC // BLK,)

    dpart = _deg_sc(dst3)
    s1 = _seg_sum_sc(x_pad, src3, dst3)

    h2 = pl.pallas_call(
        _tc1_body,
        grid=grid,
        in_specs=[
            pl.BlockSpec((NC, BLK, D), lambda i: (0, i, 0)),
            pl.BlockSpec((NC, BLK, D), lambda i: (0, i, 0)),
            pl.BlockSpec((BLK, DIN), lambda i: (i, 0)),
            pl.BlockSpec((DIN, DHID), lambda i: (0, 0)),
            pl.BlockSpec((DIN, DHID), lambda i: (0, 0)),
            pl.BlockSpec((1, DHID), lambda i: (0, 0)),
        ],
        out_specs=pl.BlockSpec((BLK, D), lambda i: (i, 0)),
        out_shape=jax.ShapeDtypeStruct((NACC, D), jnp.float32),
    )(s1, dpart, x_pad, W1_l, W1_r, b1r)

    s2 = _seg_sum_sc(h2, src3, dst3)

    out = pl.pallas_call(
        _tc2_body,
        grid=grid,
        in_specs=[
            pl.BlockSpec((NC, BLK, D), lambda i: (0, i, 0)),
            pl.BlockSpec((NC, BLK, D), lambda i: (0, i, 0)),
            pl.BlockSpec((BLK, D), lambda i: (i, 0)),
            pl.BlockSpec((D, DOUT), lambda i: (0, 0)),
            pl.BlockSpec((D, DOUT), lambda i: (0, 0)),
            pl.BlockSpec((1, DOUT), lambda i: (0, 0)),
        ],
        out_specs=pl.BlockSpec((BLK, DOUT), lambda i: (i, 0)),
        out_shape=jax.ShapeDtypeStruct((NACC, DOUT), jnp.float32),
    )(s2, dpart, h2, W2l2, W2r2, b2r)

    return out[:N]

# --- scband reference (transcript-rebuilt; emitter-appended) ---
"""Pipeline reference for scband-graph-sage-26688926778015 (READ-ONLY COPY).

The authoritative reference and input builder live on the scoring server;
editing this copy changes nothing except your own understanding.
"""

import jax, jax.numpy as jnp
import numpy as np

N_NODES = 10000
N_EDGES = 320000
D_IN = 128
D_HID = 64
D_OUT = 32


def setup_inputs(seed: int = 0) -> dict:
    key = jax.random.key(seed)
    ks = jax.random.split(key, 9)
    x = jax.random.normal(ks[0], (N_NODES, D_IN), dtype=jnp.float32)
    edge_index = jax.random.randint(ks[1], (2, N_EDGES), 0, N_NODES, dtype=jnp.int64)
    # SAGEConv layer 1: lin_l (neighbor agg) and lin_r (root), Glorot-ish init
    s1 = 1.0 / np.sqrt(D_IN)
    W1_l = jax.random.uniform(ks[2], (D_IN, D_HID), minval=-s1, maxval=s1, dtype=jnp.float32)
    W1_r = jax.random.uniform(ks[3], (D_IN, D_HID), minval=-s1, maxval=s1, dtype=jnp.float32)
    b1 = jnp.zeros((D_HID,), dtype=jnp.float32)
    s2 = 1.0 / np.sqrt(D_HID)
    W2_l = jax.random.uniform(ks[4], (D_HID, D_OUT), minval=-s2, maxval=s2, dtype=jnp.float32)
    W2_r = jax.random.uniform(ks[5], (D_HID, D_OUT), minval=-s2, maxval=s2, dtype=jnp.float32)
    b2 = jnp.zeros((D_OUT,), dtype=jnp.float32)
    return {"x": x, "edge_index": edge_index, "W1_l": W1_l, "W1_r": W1_r, "b1": b1,
            "W2_l": W2_l, "W2_r": W2_r, "b2": b2}


def _sage_conv(x, edge_index, W_l, W_r, b):
    # PyG SAGEConv with mean aggregation:
    # out = lin_l(mean_{j in N(i)} x_j) + lin_r(x_i)
    src = edge_index[0]
    dst = edge_index[1]
    n = x.shape[0]
    msgs = jnp.take(x, src, axis=0)
    agg = jax.ops.segment_sum(msgs, dst, num_segments=n)
    deg = jax.ops.segment_sum(jnp.ones((edge_index.shape[1],), dtype=x.dtype), dst, num_segments=n)
    mean = agg / jnp.clip(deg, 1.0)[:, None]
    return mean @ W_l + x @ W_r + b


def reference(x, edge_index, W1_l, W1_r, b1, W2_l, W2_r, b2):
    h = _sage_conv(x, edge_index, W1_l, W1_r, b1)
    h = jax.nn.relu(h)
    out = _sage_conv(h, edge_index, W2_l, W2_r, b2)
    return out

if __name__ == "__main__":
    import jax
    _d = setup_inputs()
    print(jax.jit(kernel)(*tuple(_d.values())))

</pallas_src>

<mosaic_0001>
#map = affine_map<(d0, d1) -> (0, 0)>
#map1 = affine_map<(d0, d1) -> (0, 0, 0)>
module attributes {stable_mosaic.version = 14 : i64} {
  func.func @_seg_sum_body(%arg0: i32, %arg1: i32, %arg2: memref<10240x128xf32, #tpu.memory_space<hbm>>, %arg3: memref<32x80x128xi32, #tpu.memory_space<hbm>>, %arg4: memref<32x80x128xi32, #tpu.memory_space<hbm>>, %arg5: memref<2x10240x128xf32, #tpu.memory_space<hbm>>, %arg6: memref<10240x128xf32, #tpu.memory_space<vmem_shared>>, %arg7: memref<128xi32, #tpu.memory_space<vmem>>, %arg8: memref<128xi32, #tpu.memory_space<vmem>>, %arg9: memref<128x128xf32, #tpu.memory_space<vmem>>, %arg10: memref<32x128xf32, #tpu.memory_space<vmem>>) attributes {dimension_semantics = [#tpu.dimension_semantics<core_parallel>, #tpu.dimension_semantics<subcore_parallel>], iteration_bounds = array<i64: 2, 16>, scalar_prefetch = 0 : i64, scratch_operands = 5 : i64, tpu.core_type = #tpu.core_type<sc_vector_subcore>, window_params = [{transform_indices = #map}, {transform_indices = #map1}, {transform_indices = #map1}, {transform_indices = #map1}]} {
    %mul3A = arith.constant 2 : i32
    %mul3A_0 = arith.muli %arg1, %mul3A : i32
    %add3A = arith.addi %mul3A_0, %arg0 : i32
    %broadcast_in_dim3A = arith.constant 0.000000e+00 : f32
    %broadcast_in_dim3A_1 = vector.broadcast %broadcast_in_dim3A : f32 to vector<16xf32>
    %scan3A = arith.constant 0 : i32
    %scan3A_2 = arith.constant 0 : i32
    %scan3A_3 = arith.constant 32 : i32
    %scan3A_4 = arith.addi %scan3A_2, %scan3A_3 : i32
    %scan3A_5 = arith.constant 1 : i32
    scf.for %scan3A_22 = %scan3A_2 to %scan3A_4 step %scan3A_5  : i32 {
      %swap3A = arith.index_cast %scan3A_22 : i32 to index
      %swap3A_23 = arith.constant 0 : index
      %swap3A_24 = tpu.vector_load %arg10[%swap3A, %swap3A_23] {strides = array<i32>} : memref<32x128xf32, #tpu.memory_space<vmem>>, vector<1x16xf32>,
      %swap3A_25 = vector.shape_cast %swap3A_24 : vector<1x16xf32> to vector<16xf32>
      %swap3A_26 = vector.shape_cast %broadcast_in_dim3A_1 : vector<16xf32> to vector<1x16xf32>
      tpu.vector_store %arg10[%swap3A, %swap3A_23], %swap3A_26 {strides = array<i32>} : memref<32x128xf32, #tpu.memory_space<vmem>>, vector<1x16xf32>,
      %swap3A_27 = arith.index_cast %scan3A_22 : i32 to index
      %swap3A_28 = arith.constant 16 : index
      %swap3A_29 = tpu.vector_load %arg10[%swap3A_27, %swap3A_28] {strides = array<i32>} : memref<32x128xf32, #tpu.memory_space<vmem>>, vector<1x16xf32>,
      %swap3A_30 = vector.shape_cast %swap3A_29 : vector<1x16xf32> to vector<16xf32>
      %swap3A_31 = vector.shape_cast %broadcast_in_dim3A_1 : vector<16xf32> to vector<1x16xf32>
      tpu.vector_store %arg10[%swap3A_27, %swap3A_28], %swap3A_31 {strides = array<i32>} : memref<32x128xf32, #tpu.memory_space<vmem>>, vector<1x16xf32>,
      %swap3A_32 = arith.index_cast %scan3A_22 : i32 to index
      %swap3A_33 = arith.constant 32 : index
      %swap3A_34 = tpu.vector_load %arg10[%swap3A_32, %swap3A_33] {strides = array<i32>} : memref<32x128xf32, #tpu.memory_space<vmem>>, vector<1x16xf32>,
      %swap3A_35 = vector.shape_cast %swap3A_34 : vector<1x16xf32> to vector<16xf32>
      %swap3A_36 = vector.shape_cast %broadcast_in_dim3A_1 : vector<16xf32> to vector<1x16xf32>
      tpu.vector_store %arg10[%swap3A_32, %swap3A_33], %swap3A_36 {strides = array<i32>} : memref<32x128xf32, #tpu.memory_space<vmem>>, vector<1x16xf32>,
      %swap3A_37 = arith.index_cast %scan3A_22 : i32 to index
      %swap3A_38 = arith.constant 48 : index
      %swap3A_39 = tpu.vector_load %arg10[%swap3A_37, %swap3A_38] {strides = array<i32>} : memref<32x128xf32, #tpu.memory_space<vmem>>, vector<1x16xf32>,
      %swap3A_40 = vector.shape_cast %swap3A_39 : vector<1x16xf32> to vector<16xf32>
      %swap3A_41 = vector.shape_cast %broadcast_in_dim3A_1 : vector<16xf32> to vector<1x16xf32>
      tpu.vector_store %arg10[%swap3A_37, %swap3A_38], %swap3A_41 {strides = array<i32>} : memref<32x128xf32, #tpu.memory_space<vmem>>, vector<1x16xf32>,
      %swap3A_42 = arith.index_cast %scan3A_22 : i32 to index
      %swap3A_43 = arith.constant 64 : index
      %swap3A_44 = tpu.vector_load %arg10[%swap3A_42, %swap3A_43] {strides = array<i32>} : memref<32x128xf32, #tpu.memory_space<vmem>>, vector<1x16xf32>,
      %swap3A_45 = vector.shape_cast %swap3A_44 : vector<1x16xf32> to vector<16xf32>
      %swap3A_46 = vector.shape_cast %broadcast_in_dim3A_1 : vector<16xf32> to vector<1x16xf32>
      tpu.vector_store %arg10[%swap3A_42, %swap3A_43], %swap3A_46 {strides = array<i32>} : memref<32x128xf32, #tpu.memory_space<vmem>>, vector<1x16xf32>,
      %swap3A_47 = arith.index_cast %scan3A_22 : i32 to index
      %swap3A_48 = arith.constant 80 : index
      %swap3A_49 = tpu.vector_load %arg10[%swap3A_47, %swap3A_48] {strides = array<i32>} : memref<32x128xf32, #tpu.memory_space<vmem>>, vector<1x16xf32>,
      %swap3A_50 = vector.shape_cast %swap3A_49 : vector<1x16xf32> to vector<16xf32>
      %swap3A_51 = vector.shape_cast %broadcast_in_dim3A_1 : vector<16xf32> to vector<1x16xf32>
      tpu.vector_store %arg10[%swap3A_47, %swap3A_48], %swap3A_51 {strides = array<i32>} : memref<32x128xf32, #tpu.memory_space<vmem>>, vector<1x16xf32>,
      %swap3A_52 = arith.index_cast %scan3A_22 : i32 to index
      %swap3A_53 = arith.constant 96 : index
      %swap3A_54 = tpu.vector_load %arg10[%swap3A_52, %swap3A_53] {strides = array<i32>} : memref<32x128xf32, #tpu.memory_space<vmem>>, vector<1x16xf32>,
      %swap3A_55 = vector.shape_cast %swap3A_54 : vector<1x16xf32> to vector<16xf32>
      %swap3A_56 = vector.shape_cast %broadcast_in_dim3A_1 : vector<16xf32> to vector<1x16xf32>
      tpu.vector_store %arg10[%swap3A_52, %swap3A_53], %swap3A_56 {strides = array<i32>} : memref<32x128xf32, #tpu.memory_space<vmem>>, vector<1x16xf32>,
      %swap3A_57 = arith.index_cast %scan3A_22 : i32 to index
      %swap3A_58 = arith.constant 112 : index
      %swap3A_59 = tpu.vector_load %arg10[%swap3A_57, %swap3A_58] {strides = array<i32>} : memref<32x128xf32, #tpu.memory_space<vmem>>, vector<1x16xf32>,
      %swap3A_60 = vector.shape_cast %swap3A_59 : vector<1x16xf32> to vector<16xf32>
      %swap3A_61 = vector.shape_cast %broadcast_in_dim3A_1 : vector<16xf32> to vector<1x16xf32>
      tpu.vector_store %arg10[%swap3A_57, %swap3A_58], %swap3A_61 {strides = array<i32>} : memref<32x128xf32, #tpu.memory_space<vmem>>, vector<1x16xf32>,
    }
    %scan3A_6 = arith.constant 32 : i32
    %scan3A_7 = arith.constant 0 : i32
    %scan3A_8 = arith.constant 0 : i32
    %scan3A_9 = arith.constant 20 : i32
    %scan3A_10 = arith.addi %scan3A_8, %scan3A_9 : i32
    %scan3A_11 = arith.constant 1 : i32
    scf.for %scan3A_22 = %scan3A_8 to %scan3A_10 step %scan3A_11  : i32 {
      %mul3A_23 = arith.constant 640 : i32
      %mul3A_24 = arith.muli %arg1, %mul3A_23 : i32
      %mul3A_25 = arith.constant 32 : i32
      %mul3A_26 = arith.muli %scan3A_22, %mul3A_25 : i32
      %add3A_27 = arith.addi %mul3A_24, %mul3A_26 : i32
      "tpu.region"() ({
        %run_scoped3A = tpu.sem_alloc : memref<!tpu.dma_semaphore, #tpu.memory_space<semaphore_mem>>
        %dma_start3A = arith.constant 0 : i32
        %dma_start3A_28 = tpu.memref_slice %arg6[%add3A_27, %dma_start3A] : memref<10240x128xf32, #tpu.memory_space<vmem_shared>> -> memref<32x128xf32, #tpu.memory_space<vmem_shared>>
        %dma_start3A_29 = arith.constant 0 : i32
        %dma_start3A_30 = tpu.memref_slice %arg6[%add3A_27, %dma_start3A_29] : memref<10240x128xf32, #tpu.memory_space<vmem_shared>> -> memref<32x128xf32, #tpu.memory_space<vmem_shared>>
        tpu.enqueue_dma source(%arg10 : memref<32x128xf32, #tpu.memory_space<vmem>>) target(%dma_start3A_30 : memref<32x128xf32, #tpu.memory_space<vmem_shared>>) target_semaphore(%run_scoped3A : memref<!tpu.dma_semaphore, #tpu.memory_space<semaphore_mem>>)
        %dma_wait3A = arith.constant 0 : i32
        %dma_wait3A_31 = tpu.memref_slice %arg6[%add3A_27, %dma_wait3A] : memref<10240x128xf32, #tpu.memory_space<vmem_shared>> -> memref<32x128xf32, #tpu.memory_space<vmem_shared>>
        %dma_wait3A_32 = arith.constant 0 : i32
        %dma_wait3A_33 = tpu.memref_slice %arg6[%add3A_27, %dma_wait3A_32] : memref<10240x128xf32, #tpu.memory_space<vmem_shared>> -> memref<32x128xf32, #tpu.memory_space<vmem_shared>>
        tpu.wait_dma2 semaphore(%run_scoped3A : memref<!tpu.dma_semaphore, #tpu.memory_space<semaphore_mem>>) src(%arg10 : memref<32x128xf32, #tpu.memory_space<vmem>>) dst(%dma_wait3A_33 : memref<32x128xf32, #tpu.memory_space<vmem_shared>>)
        tpu.yield
      }) : () -> ()
    }
    %scan3A_12 = arith.constant 20 : i32
    %barrier3A = arith.constant 0 : index
    tpu.barrier barrier_id(%barrier3A)
    %scan3A_13 = arith.constant 0 : i32
    %scan3A_14 = arith.constant 0 : i32
    %scan3A_15 = arith.constant 80 : i32
    %scan3A_16 = arith.addi %scan3A_14, %scan3A_15 : i32
    %scan3A_17 = arith.constant 1 : i32
    scf.for %scan3A_22 = %scan3A_14 to %scan3A_16 step %scan3A_17  : i32 {
      "tpu.region"() ({
        %run_scoped3A = tpu.sem_alloc : memref<!tpu.dma_semaphore, #tpu.memory_space<semaphore_mem>>
        %dma_start3A = arith.constant 0 : i32
        %dma_start3A_23 = tpu.memref_slice %arg3[%add3A, %scan3A_22, %dma_start3A] : memref<32x80x128xi32, #tpu.memory_space<hbm>> -> memref<1x1x128xi32, #tpu.memory_space<hbm>>
        %dma_start3A_24 = tpu.memref_squeeze %dma_start3A_23 : memref<1x1x128xi32, #tpu.memory_space<hbm>> -> memref<128xi32, #tpu.memory_space<hbm>>
        %dma_start3A_25 = arith.constant 0 : i32
        %dma_start3A_26 = tpu.memref_slice %arg3[%add3A, %scan3A_22, %dma_start3A_25] : memref<32x80x128xi32, #tpu.memory_space<hbm>> -> memref<1x1x128xi32, #tpu.memory_space<hbm>>
        %dma_start3A_27 = tpu.memref_squeeze %dma_start3A_26 : memref<1x1x128xi32, #tpu.memory_space<hbm>> -> memref<128xi32, #tpu.memory_space<hbm>>
        tpu.enqueue_dma source(%dma_start3A_27 : memref<128xi32, #tpu.memory_space<hbm>>) target(%arg7 : memref<128xi32, #tpu.memory_space<vmem>>) target_semaphore(%run_scoped3A : memref<!tpu.dma_semaphore, #tpu.memory_space<semaphore_mem>>)
        %dma_wait3A = arith.constant 0 : i32
        %dma_wait3A_28 = tpu.memref_slice %arg3[%add3A, %scan3A_22, %dma_wait3A] : memref<32x80x128xi32, #tpu.memory_space<hbm>> -> memref<1x1x128xi32, #tpu.memory_space<hbm>>
        %dma_wait3A_29 = tpu.memref_squeeze %dma_wait3A_28 : memref<1x1x128xi32, #tpu.memory_space<hbm>> -> memref<128xi32, #tpu.memory_space<hbm>>
        %dma_wait3A_30 = arith.constant 0 : i32
        %dma_wait3A_31 = tpu.memref_slice %arg3[%add3A, %scan3A_22, %dma_wait3A_30] : memref<32x80x128xi32, #tpu.memory_space<hbm>> -> memref<1x1x128xi32, #tpu.memory_space<hbm>>
        %dma_wait3A_32 = tpu.memref_squeeze %dma_wait3A_31 : memref<1x1x128xi32, #tpu.memory_space<hbm>> -> memref<128xi32, #tpu.memory_space<hbm>>
        tpu.wait_dma2 semaphore(%run_scoped3A : memref<!tpu.dma_semaphore, #tpu.memory_space<semaphore_mem>>) src(%dma_wait3A_32 : memref<128xi32, #tpu.memory_space<hbm>>) dst(%arg7 : memref<128xi32, #tpu.memory_space<vmem>>)
        tpu.yield
      }) : () -> ()
      "tpu.region"() ({
        %run_scoped3A = tpu.sem_alloc : memref<!tpu.dma_semaphore, #tpu.memory_space<semaphore_mem>>
        %dma_start3A = arith.constant 0 : i32
        %dma_start3A_23 = tpu.memref_slice %arg4[%add3A, %scan3A_22, %dma_start3A] : memref<32x80x128xi32, #tpu.memory_space<hbm>> -> memref<1x1x128xi32, #tpu.memory_space<hbm>>
        %dma_start3A_24 = tpu.memref_squeeze %dma_start3A_23 : memref<1x1x128xi32, #tpu.memory_space<hbm>> -> memref<128xi32, #tpu.memory_space<hbm>>
        %dma_start3A_25 = arith.constant 0 : i32
        %dma_start3A_26 = tpu.memref_slice %arg4[%add3A, %scan3A_22, %dma_start3A_25] : memref<32x80x128xi32, #tpu.memory_space<hbm>> -> memref<1x1x128xi32, #tpu.memory_space<hbm>>
        %dma_start3A_27 = tpu.memref_squeeze %dma_start3A_26 : memref<1x1x128xi32, #tpu.memory_space<hbm>> -> memref<128xi32, #tpu.memory_space<hbm>>
        tpu.enqueue_dma source(%dma_start3A_27 : memref<128xi32, #tpu.memory_space<hbm>>) target(%arg8 : memref<128xi32, #tpu.memory_space<vmem>>) target_semaphore(%run_scoped3A : memref<!tpu.dma_semaphore, #tpu.memory_space<semaphore_mem>>)
        %dma_wait3A = arith.constant 0 : i32
        %dma_wait3A_28 = tpu.memref_slice %arg4[%add3A, %scan3A_22, %dma_wait3A] : memref<32x80x128xi32, #tpu.memory_space<hbm>> -> memref<1x1x128xi32, #tpu.memory_space<hbm>>
        %dma_wait3A_29 = tpu.memref_squeeze %dma_wait3A_28 : memref<1x1x128xi32, #tpu.memory_space<hbm>> -> memref<128xi32, #tpu.memory_space<hbm>>
        %dma_wait3A_30 = arith.constant 0 : i32
        %dma_wait3A_31 = tpu.memref_slice %arg4[%add3A, %scan3A_22, %dma_wait3A_30] : memref<32x80x128xi32, #tpu.memory_space<hbm>> -> memref<1x1x128xi32, #tpu.memory_space<hbm>>
        %dma_wait3A_32 = tpu.memref_squeeze %dma_wait3A_31 : memref<1x1x128xi32, #tpu.memory_space<hbm>> -> memref<128xi32, #tpu.memory_space<hbm>>
        tpu.wait_dma2 semaphore(%run_scoped3A : memref<!tpu.dma_semaphore, #tpu.memory_space<semaphore_mem>>) src(%dma_wait3A_32 : memref<128xi32, #tpu.memory_space<hbm>>) dst(%arg8 : memref<128xi32, #tpu.memory_space<vmem>>)
        tpu.yield
      }) : () -> ()
      "tpu.region"() ({
        %run_scoped3A = tpu.sem_alloc : memref<!tpu.dma_semaphore, #tpu.memory_space<semaphore_mem>>
        %dma_start3A = arith.constant 0 : i32
        %dma_start3A_23 = arith.constant 0 : i32
        %dma_start3A_24 = tpu.memref_slice %arg2[%dma_start3A, %dma_start3A_23] : memref<10240x128xf32, #tpu.memory_space<hbm>> -> memref<10240x128xf32, #tpu.memory_space<hbm>>
        tpu.enqueue_indirect_dma source(%dma_start3A_24 : memref<10240x128xf32, #tpu.memory_space<hbm>>) target(%arg9 : memref<128x128xf32, #tpu.memory_space<vmem>>) offsets(%arg7 : memref<128xi32, #tpu.memory_space<vmem>>) semaphore(%run_scoped3A : memref<!tpu.dma_semaphore, #tpu.memory_space<semaphore_mem>>)
        %dma_wait3A = arith.constant 0 : i32
        %dma_wait3A_25 = arith.constant 0 : i32
        %dma_wait3A_26 = tpu.memref_slice %arg2[%dma_wait3A, %dma_wait3A_25] : memref<10240x128xf32, #tpu.memory_space<hbm>> -> memref<10240x128xf32, #tpu.memory_space<hbm>>
        tpu.wait_indirect_dma semaphore(%run_scoped3A : memref<!tpu.dma_semaphore, #tpu.memory_space<semaphore_mem>>) src(%dma_wait3A_26 : memref<10240x128xf32, #tpu.memory_space<hbm>>) dst(%arg9 : memref<128x128xf32, #tpu.memory_space<vmem>>)
        tpu.yield
      }) : () -> ()
      "tpu.region"() ({
        %run_scoped3A = tpu.sem_alloc : memref<!tpu.dma_semaphore, #tpu.memory_space<semaphore_mem>>
        %dma_start3A = arith.constant 0 : i32
        %dma_start3A_23 = arith.constant 0 : i32
        %dma_start3A_24 = tpu.memref_slice %arg6[%dma_start3A, %dma_start3A_23] : memref<10240x128xf32, #tpu.memory_space<vmem_shared>> -> memref<10240x128xf32, #tpu.memory_space<vmem_shared>>
        tpu.enqueue_indirect_dma source(%arg9 : memref<128x128xf32, #tpu.memory_space<vmem>>) target(%dma_start3A_24 : memref<10240x128xf32, #tpu.memory_space<vmem_shared>>) offsets(%arg8 : memref<128xi32, #tpu.memory_space<vmem>>) semaphore(%run_scoped3A : memref<!tpu.dma_semaphore, #tpu.memory_space<semaphore_mem>>) {add = true}
        %dma_wait3A = arith.constant 0 : i32
        %dma_wait3A_25 = arith.constant 0 : i32
        %dma_wait3A_26 = tpu.memref_slice %arg6[%dma_wait3A, %dma_wait3A_25] : memref<10240x128xf32, #tpu.memory_space<vmem_shared>> -> memref<10240x128xf32, #tpu.memory_space<vmem_shared>>
        tpu.wait_indirect_dma semaphore(%run_scoped3A : memref<!tpu.dma_semaphore, #tpu.memory_space<semaphore_mem>>) src(%arg9 : memref<128x128xf32, #tpu.memory_space<vmem>>) dst(%dma_wait3A_26 : memref<10240x128xf32, #tpu.memory_space<vmem_shared>>)
        tpu.yield
      }) : () -> ()
    }
    %scan3A_18 = arith.constant 80 : i32
    %barrier3A_19 = arith.constant 0 : index
    tpu.barrier barrier_id(%barrier3A_19)
    %mul3A_20 = arith.constant 640 : i32
    %mul3A_21 = arith.muli %arg1, %mul3A_20 : i32
    "tpu.region"() ({
      %run_scoped3A = tpu.sem_alloc : memref<!tpu.dma_semaphore, #tpu.memory_space<semaphore_mem>>
      %dma_start3A = arith.constant 0 : i32
      %dma_start3A_22 = tpu.memref_slice %arg5[%arg0, %mul3A_21, %dma_start3A] : memref<2x10240x128xf32, #tpu.memory_space<hbm>> -> memref<1x640x128xf32, #tpu.memory_space<hbm>>
      %dma_start3A_23 = tpu.memref_squeeze %dma_start3A_22 : memref<1x640x128xf32, #tpu.memory_space<hbm>> -> memref<640x128xf32, #tpu.memory_space<hbm>>
      %dma_start3A_24 = arith.constant 0 : i32
      %dma_start3A_25 = tpu.memref_slice %arg6[%mul3A_21, %dma_start3A_24] : memref<10240x128xf32, #tpu.memory_space<vmem_shared>> -> memref<640x128xf32, #tpu.memory_space<vmem_shared>>
      tpu.enqueue_dma source(%dma_start3A_25 : memref<640x128xf32, #tpu.memory_space<vmem_shared>>) target(%dma_start3A_23 : memref<640x128xf32, #tpu.memory_space<hbm>>) target_semaphore(%run_scoped3A : memref<!tpu.dma_semaphore, #tpu.memory_space<semaphore_mem>>)
      %dma_wait3A = arith.constant 0 : i32
      %dma_wait3A_26 = tpu.memref_slice %arg5[%arg0, %mul3A_21, %dma_wait3A] : memref<2x10240x128xf32, #tpu.memory_space<hbm>> -> memref<1x640x128xf32, #tpu.memory_space<hbm>>
      %dma_wait3A_27 = tpu.memref_squeeze %dma_wait3A_26 : memref<1x640x128xf32, #tpu.memory_space<hbm>> -> memref<640x128xf32, #tpu.memory_space<hbm>>
      %dma_wait3A_28 = arith.constant 0 : i32
      %dma_wait3A_29 = tpu.memref_slice %arg6[%mul3A_21, %dma_wait3A_28] : memref<10240x128xf32, #tpu.memory_space<vmem_shared>> -> memref<640x128xf32, #tpu.memory_space<vmem_shared>>
      tpu.wait_dma2 semaphore(%run_scoped3A : memref<!tpu.dma_semaphore, #tpu.memory_space<semaphore_mem>>) src(%dma_wait3A_29 : memref<640x128xf32, #tpu.memory_space<vmem_shared>>) dst(%dma_wait3A_27 : memref<640x128xf32, #tpu.memory_space<hbm>>)
      tpu.yield
    }) : () -> ()
    return
  }
}

#map = affine_map<(d0, d1) -> (0, 0)>
#map1 = affine_map<(d0, d1) -> (0, 0, 0)>
module attributes {stable_mosaic.version = 14 : i64} {
  func.func @_seg_sum_body(%arg0: i32, %arg1: i32, %arg2: memref<10240x128xf32, #tpu.memory_space<hbm>>, %arg3: memref<32x80x128xi32, #tpu.memory_space<hbm>>, %arg4: memref<32x80x128xi32, #tpu.memory_space<hbm>>, %arg5: memref<2x10240x128xf32, #tpu.memory_space<hbm>>, %arg6: memref<10240x128xf32, #tpu.memory_space<vmem_shared>>, %arg7: memref<128xi32, #tpu.memory_space<vmem>>, %arg8: memref<128xi32, #tpu.memory_space<vmem>>, %arg9: memref<128x128xf32, #tpu.memory_space<vmem>>, %arg10: memref<32x128xf32, #tpu.memory_space<vmem>>) attributes {dimension_semantics = [#tpu.dimension_semantics<core_parallel>, #tpu.dimension_semantics<subcore_parallel>], iteration_bounds = array<i64: 2, 16>, scalar_prefetch = 0 : i64, scratch_operands = 5 : i64, tpu.core_type = #tpu.core_type<sc_vector_subcore>, window_params = [{transform_indices = #map}, {transform_indices = #map1}, {transform_indices = #map1}, {transform_indices = #map1}]} {
    %mul3A = arith.constant 2 : i32
    %mul3A_0 = arith.muli %arg1, %mul3A : i32
    %add3A = arith.addi %mul3A_0, %arg0 : i32
    %broadcast_in_dim3A = arith.constant 0.000000e+00 : f32
    %broadcast_in_dim3A_1 = vector.broadcast %broadcast_in_dim3A : f32 to vector<16xf32>
    %scan3A = arith.constant 0 : i32
    %scan3A_2 = arith.constant 0 : i32
    %scan3A_3 = arith.constant 32 : i32
    %scan3A_4 = arith.addi %scan3A_2, %scan3A_3 : i32
    %scan3A_5 = arith.constant 1 : i32
    scf.for %scan3A_22 = %scan3A_2 to %scan3A_4 step %scan3A_5  : i32 {
      %swap3A = arith.index_cast %scan3A_22 : i32 to index
      %swap3A_23 = arith.constant 0 : index
      %swap3A_24 = tpu.vector_load %arg10[%swap3A, %swap3A_23] {strides = array<i32>} : memref<32x128xf32, #tpu.memory_space<vmem>>, vector<1x16xf32>,
      %swap3A_25 = vector.shape_cast %swap3A_24 : vector<1x16xf32> to vector<16xf32>
      %swap3A_26 = vector.shape_cast %broadcast_in_dim3A_1 : vector<16xf32> to vector<1x16xf32>
      tpu.vector_store %arg10[%swap3A, %swap3A_23], %swap3A_26 {strides = array<i32>} : memref<32x128xf32, #tpu.memory_space<vmem>>, vector<1x16xf32>,
      %swap3A_27 = arith.index_cast %scan3A_22 : i32 to index
      %swap3A_28 = arith.constant 16 : index
      %swap3A_29 = tpu.vector_load %arg10[%swap3A_27, %swap3A_28] {strides = array<i32>} : memref<32x128xf32, #tpu.memory_space<vmem>>, vector<1x16xf32>,
      %swap3A_30 = vector.shape_cast %swap3A_29 : vector<1x16xf32> to vector<16xf32>
      %swap3A_31 = vector.shape_cast %broadcast_in_dim3A_1 : vector<16xf32> to vector<1x16xf32>
      tpu.vector_store %arg10[%swap3A_27, %swap3A_28], %swap3A_31 {strides = array<i32>} : memref<32x128xf32, #tpu.memory_space<vmem>>, vector<1x16xf32>,
      %swap3A_32 = arith.index_cast %scan3A_22 : i32 to index
      %swap3A_33 = arith.constant 32 : index
      %swap3A_34 = tpu.vector_load %arg10[%swap3A_32, %swap3A_33] {strides = array<i32>} : memref<32x128xf32, #tpu.memory_space<vmem>>, vector<1x16xf32>,
      %swap3A_35 = vector.shape_cast %swap3A_34 : vector<1x16xf32> to vector<16xf32>
      %swap3A_36 = vector.shape_cast %broadcast_in_dim3A_1 : vector<16xf32> to vector<1x16xf32>
      tpu.vector_store %arg10[%swap3A_32, %swap3A_33], %swap3A_36 {strides = array<i32>} : memref<32x128xf32, #tpu.memory_space<vmem>>, vector<1x16xf32>,
      %swap3A_37 = arith.index_cast %scan3A_22 : i32 to index
      %swap3A_38 = arith.constant 48 : index
      %swap3A_39 = tpu.vector_load %arg10[%swap3A_37, %swap3A_38] {strides = array<i32>} : memref<32x128xf32, #tpu.memory_space<vmem>>, vector<1x16xf32>,
      %swap3A_40 = vector.shape_cast %swap3A_39 : vector<1x16xf32> to vector<16xf32>
      %swap3A_41 = vector.shape_cast %broadcast_in_dim3A_1 : vector<16xf32> to vector<1x16xf32>
      tpu.vector_store %arg10[%swap3A_37, %swap3A_38], %swap3A_41 {strides = array<i32>} : memref<32x128xf32, #tpu.memory_space<vmem>>, vector<1x16xf32>,
      %swap3A_42 = arith.index_cast %scan3A_22 : i32 to index
      %swap3A_43 = arith.constant 64 : index
      %swap3A_44 = tpu.vector_load %arg10[%swap3A_42, %swap3A_43] {strides = array<i32>} : memref<32x128xf32, #tpu.memory_space<vmem>>, vector<1x16xf32>,
      %swap3A_45 = vector.shape_cast %swap3A_44 : vector<1x16xf32> to vector<16xf32>
      %swap3A_46 = vector.shape_cast %broadcast_in_dim3A_1 : vector<16xf32> to vector<1x16xf32>
      tpu.vector_store %arg10[%swap3A_42, %swap3A_43], %swap3A_46 {strides = array<i32>} : memref<32x128xf32, #tpu.memory_space<vmem>>, vector<1x16xf32>,
      %swap3A_47 = arith.index_cast %scan3A_22 : i32 to index
      %swap3A_48 = arith.constant 80 : index
      %swap3A_49 = tpu.vector_load %arg10[%swap3A_47, %swap3A_48] {strides = array<i32>} : memref<32x128xf32, #tpu.memory_space<vmem>>, vector<1x16xf32>,
      %swap3A_50 = vector.shape_cast %swap3A_49 : vector<1x16xf32> to vector<16xf32>
      %swap3A_51 = vector.shape_cast %broadcast_in_dim3A_1 : vector<16xf32> to vector<1x16xf32>
      tpu.vector_store %arg10[%swap3A_47, %swap3A_48], %swap3A_51 {strides = array<i32>} : memref<32x128xf32, #tpu.memory_space<vmem>>, vector<1x16xf32>,
      %swap3A_52 = arith.index_cast %scan3A_22 : i32 to index
      %swap3A_53 = arith.constant 96 : index
      %swap3A_54 = tpu.vector_load %arg10[%swap3A_52, %swap3A_53] {strides = array<i32>} : memref<32x128xf32, #tpu.memory_space<vmem>>, vector<1x16xf32>,
      %swap3A_55 = vector.shape_cast %swap3A_54 : vector<1x16xf32> to vector<16xf32>
      %swap3A_56 = vector.shape_cast %broadcast_in_dim3A_1 : vector<16xf32> to vector<1x16xf32>
      tpu.vector_store %arg10[%swap3A_52, %swap3A_53], %swap3A_56 {strides = array<i32>} : memref<32x128xf32, #tpu.memory_space<vmem>>, vector<1x16xf32>,
      %swap3A_57 = arith.index_cast %scan3A_22 : i32 to index
      %swap3A_58 = arith.constant 112 : index
      %swap3A_59 = tpu.vector_load %arg10[%swap3A_57, %swap3A_58] {strides = array<i32>} : memref<32x128xf32, #tpu.memory_space<vmem>>, vector<1x16xf32>,
      %swap3A_60 = vector.shape_cast %swap3A_59 : vector<1x16xf32> to vector<16xf32>
      %swap3A_61 = vector.shape_cast %broadcast_in_dim3A_1 : vector<16xf32> to vector<1x16xf32>
      tpu.vector_store %arg10[%swap3A_57, %swap3A_58], %swap3A_61 {strides = array<i32>} : memref<32x128xf32, #tpu.memory_space<vmem>>, vector<1x16xf32>,
    }
    %scan3A_6 = arith.constant 32 : i32
    %scan3A_7 = arith.constant 0 : i32
    %scan3A_8 = arith.constant 0 : i32
    %scan3A_9 = arith.constant 20 : i32
    %scan3A_10 = arith.addi %scan3A_8, %scan3A_9 : i32
    %scan3A_11 = arith.constant 1 : i32
    scf.for %scan3A_22 = %scan3A_8 to %scan3A_10 step %scan3A_11  : i32 {
      %mul3A_23 = arith.constant 640 : i32
      %mul3A_24 = arith.muli %arg1, %mul3A_23 : i32
      %mul3A_25 = arith.constant 32 : i32
      %mul3A_26 = arith.muli %scan3A_22, %mul3A_25 : i32
      %add3A_27 = arith.addi %mul3A_24, %mul3A_26 : i32
      "tpu.region"() ({
        %run_scoped3A = tpu.sem_alloc : memref<!tpu.dma_semaphore, #tpu.memory_space<semaphore_mem>>
        %dma_start3A = arith.constant 0 : i32
        %dma_start3A_28 = tpu.memref_slice %arg6[%add3A_27, %dma_start3A] : memref<10240x128xf32, #tpu.memory_space<vmem_shared>> -> memref<32x128xf32, #tpu.memory_space<vmem_shared>>
        %dma_start3A_29 = arith.constant 0 : i32
        %dma_start3A_30 = tpu.memref_slice %arg6[%add3A_27, %dma_start3A_29] : memref<10240x128xf32, #tpu.memory_space<vmem_shared>> -> memref<32x128xf32, #tpu.memory_space<vmem_shared>>
        tpu.enqueue_dma source(%arg10 : memref<32x128xf32, #tpu.memory_space<vmem>>) target(%dma_start3A_30 : memref<32x128xf32, #tpu.memory_space<vmem_shared>>) target_semaphore(%run_scoped3A : memref<!tpu.dma_semaphore, #tpu.memory_space<semaphore_mem>>)
        %dma_wait3A = arith.constant 0 : i32
        %dma_wait3A_31 = tpu.memref_slice %arg6[%add3A_27, %dma_wait3A] : memref<10240x128xf32, #tpu.memory_space<vmem_shared>> -> memref<32x128xf32, #tpu.memory_space<vmem_shared>>
        %dma_wait3A_32 = arith.constant 0 : i32
        %dma_wait3A_33 = tpu.memref_slice %arg6[%add3A_27, %dma_wait3A_32] : memref<10240x128xf32, #tpu.memory_space<vmem_shared>> -> memref<32x128xf32, #tpu.memory_space<vmem_shared>>
        tpu.wait_dma2 semaphore(%run_scoped3A : memref<!tpu.dma_semaphore, #tpu.memory_space<semaphore_mem>>) src(%arg10 : memref<32x128xf32, #tpu.memory_space<vmem>>) dst(%dma_wait3A_33 : memref<32x128xf32, #tpu.memory_space<vmem_shared>>)
        tpu.yield
      }) : () -> ()
    }
    %scan3A_12 = arith.constant 20 : i32
    %barrier3A = arith.constant 0 : index
    tpu.barrier barrier_id(%barrier3A)
    %scan3A_13 = arith.constant 0 : i32
    %scan3A_14 = arith.constant 0 : i32
    %scan3A_15 = arith.constant 80 : i32
    %scan3A_16 = arith.addi %scan3A_14, %scan3A_15 : i32
    %scan3A_17 = arith.constant 1 : i32
    scf.for %scan3A_22 = %scan3A_14 to %scan3A_16 step %scan3A_17  : i32 {
      "tpu.region"() ({
        %run_scoped3A = tpu.sem_alloc : memref<!tpu.dma_semaphore, #tpu.memory_space<semaphore_mem>>
        %dma_start3A = arith.constant 0 : i32
        %dma_start3A_23 = tpu.memref_slice %arg3[%add3A, %scan3A_22, %dma_start3A] : memref<32x80x128xi32, #tpu.memory_space<hbm>> -> memref<1x1x128xi32, #tpu.memory_space<hbm>>
        %dma_start3A_24 = tpu.memref_squeeze %dma_start3A_23 : memref<1x1x128xi32, #tpu.memory_space<hbm>> -> memref<128xi32, #tpu.memory_space<hbm>>
        %dma_start3A_25 = arith.constant 0 : i32
        %dma_start3A_26 = tpu.memref_slice %arg3[%add3A, %scan3A_22, %dma_start3A_25] : memref<32x80x128xi32, #tpu.memory_space<hbm>> -> memref<1x1x128xi32, #tpu.memory_space<hbm>>
        %dma_start3A_27 = tpu.memref_squeeze %dma_start3A_26 : memref<1x1x128xi32, #tpu.memory_space<hbm>> -> memref<128xi32, #tpu.memory_space<hbm>>
        tpu.enqueue_dma source(%dma_start3A_27 : memref<128xi32, #tpu.memory_space<hbm>>) target(%arg7 : memref<128xi32, #tpu.memory_space<vmem>>) target_semaphore(%run_scoped3A : memref<!tpu.dma_semaphore, #tpu.memory_space<semaphore_mem>>)
        %dma_wait3A = arith.constant 0 : i32
        %dma_wait3A_28 = tpu.memref_slice %arg3[%add3A, %scan3A_22, %dma_wait3A] : memref<32x80x128xi32, #tpu.memory_space<hbm>> -> memref<1x1x128xi32, #tpu.memory_space<hbm>>
        %dma_wait3A_29 = tpu.memref_squeeze %dma_wait3A_28 : memref<1x1x128xi32, #tpu.memory_space<hbm>> -> memref<128xi32, #tpu.memory_space<hbm>>
        %dma_wait3A_30 = arith.constant 0 : i32
        %dma_wait3A_31 = tpu.memref_slice %arg3[%add3A, %scan3A_22, %dma_wait3A_30] : memref<32x80x128xi32, #tpu.memory_space<hbm>> -> memref<1x1x128xi32, #tpu.memory_space<hbm>>
        %dma_wait3A_32 = tpu.memref_squeeze %dma_wait3A_31 : memref<1x1x128xi32, #tpu.memory_space<hbm>> -> memref<128xi32, #tpu.memory_space<hbm>>
        tpu.wait_dma2 semaphore(%run_scoped3A : memref<!tpu.dma_semaphore, #tpu.memory_space<semaphore_mem>>) src(%dma_wait3A_32 : memref<128xi32, #tpu.memory_space<hbm>>) dst(%arg7 : memref<128xi32, #tpu.memory_space<vmem>>)
        tpu.yield
      }) : () -> ()
      "tpu.region"() ({
        %run_scoped3A = tpu.sem_alloc : memref<!tpu.dma_semaphore, #tpu.memory_space<semaphore_mem>>
        %dma_start3A = arith.constant 0 : i32
        %dma_start3A_23 = tpu.memref_slice %arg4[%add3A, %scan3A_22, %dma_start3A] : memref<32x80x128xi32, #tpu.memory_space<hbm>> -> memref<1x1x128xi32, #tpu.memory_space<hbm>>
        %dma_start3A_24 = tpu.memref_squeeze %dma_start3A_23 : memref<1x1x128xi32, #tpu.memory_space<hbm>> -> memref<128xi32, #tpu.memory_space<hbm>>
        %dma_start3A_25 = arith.constant 0 : i32
        %dma_start3A_26 = tpu.memref_slice %arg4[%add3A, %scan3A_22, %dma_start3A_25] : memref<32x80x128xi32, #tpu.memory_space<hbm>> -> memref<1x1x128xi32, #tpu.memory_space<hbm>>
        %dma_start3A_27 = tpu.memref_squeeze %dma_start3A_26 : memref<1x1x128xi32, #tpu.memory_space<hbm>> -> memref<128xi32, #tpu.memory_space<hbm>>
        tpu.enqueue_dma source(%dma_start3A_27 : memref<128xi32, #tpu.memory_space<hbm>>) target(%arg8 : memref<128xi32, #tpu.memory_space<vmem>>) target_semaphore(%run_scoped3A : memref<!tpu.dma_semaphore, #tpu.memory_space<semaphore_mem>>)
        %dma_wait3A = arith.constant 0 : i32
        %dma_wait3A_28 = tpu.memref_slice %arg4[%add3A, %scan3A_22, %dma_wait3A] : memref<32x80x128xi32, #tpu.memory_space<hbm>> -> memref<1x1x128xi32, #tpu.memory_space<hbm>>
        %dma_wait3A_29 = tpu.memref_squeeze %dma_wait3A_28 : memref<1x1x128xi32, #tpu.memory_space<hbm>> -> memref<128xi32, #tpu.memory_space<hbm>>
        %dma_wait3A_30 = arith.constant 0 : i32
        %dma_wait3A_31 = tpu.memref_slice %arg4[%add3A, %scan3A_22, %dma_wait3A_30] : memref<32x80x128xi32, #tpu.memory_space<hbm>> -> memref<1x1x128xi32, #tpu.memory_space<hbm>>
        %dma_wait3A_32 = tpu.memref_squeeze %dma_wait3A_31 : memref<1x1x128xi32, #tpu.memory_space<hbm>> -> memref<128xi32, #tpu.memory_space<hbm>>
        tpu.wait_dma2 semaphore(%run_scoped3A : memref<!tpu.dma_semaphore, #tpu.memory_space<semaphore_mem>>) src(%dma_wait3A_32 : memref<128xi32, #tpu.memory_space<hbm>>) dst(%arg8 : memref<128xi32, #tpu.memory_space<vmem>>)
        tpu.yield
      }) : () -> ()
      "tpu.region"() ({
        %run_scoped3A = tpu.sem_alloc : memref<!tpu.dma_semaphore, #tpu.memory_space<semaphore_mem>>
        %dma_start3A = arith.constant 0 : i32
        %dma_start3A_23 = arith.constant 0 : i32
        %dma_start3A_24 = tpu.memref_slice %arg2[%dma_start3A, %dma_start3A_23] : memref<10240x128xf32, #tpu.memory_space<hbm>> -> memref<10240x128xf32, #tpu.memory_space<hbm>>
        tpu.enqueue_indirect_dma source(%dma_start3A_24 : memref<10240x128xf32, #tpu.memory_space<hbm>>) target(%arg9 : memref<128x128xf32, #tpu.memory_space<vmem>>) offsets(%arg7 : memref<128xi32, #tpu.memory_space<vmem>>) semaphore(%run_scoped3A : memref<!tpu.dma_semaphore, #tpu.memory_space<semaphore_mem>>)
        %dma_wait3A = arith.constant 0 : i32
        %dma_wait3A_25 = arith.constant 0 : i32
        %dma_wait3A_26 = tpu.memref_slice %arg2[%dma_wait3A, %dma_wait3A_25] : memref<10240x128xf32, #tpu.memory_space<hbm>> -> memref<10240x128xf32, #tpu.memory_space<hbm>>
        tpu.wait_indirect_dma semaphore(%run_scoped3A : memref<!tpu.dma_semaphore, #tpu.memory_space<semaphore_mem>>) src(%dma_wait3A_26 : memref<10240x128xf32, #tpu.memory_space<hbm>>) dst(%arg9 : memref<128x128xf32, #tpu.memory_space<vmem>>)
        tpu.yield
      }) : () -> ()
      "tpu.region"() ({
        %run_scoped3A = tpu.sem_alloc : memref<!tpu.dma_semaphore, #tpu.memory_space<semaphore_mem>>
        %dma_start3A = arith.constant 0 : i32
        %dma_start3A_23 = arith.constant 0 : i32
        %dma_start3A_24 = tpu.memref_slice %arg6[%dma_start3A, %dma_start3A_23] : memref<10240x128xf32, #tpu.memory_space<vmem_shared>> -> memref<10240x128xf32, #tpu.memory_space<vmem_shared>>
        tpu.enqueue_indirect_dma source(%arg9 : memref<128x128xf32, #tpu.memory_space<vmem>>) target(%dma_start3A_24 : memref<10240x128xf32, #tpu.memory_space<vmem_shared>>) offsets(%arg8 : memref<128xi32, #tpu.memory_space<vmem>>) semaphore(%run_scoped3A : memref<!tpu.dma_semaphore, #tpu.memory_space<semaphore_mem>>) {add = true}
        %dma_wait3A = arith.constant 0 : i32
        %dma_wait3A_25 = arith.constant 0 : i32
        %dma_wait3A_26 = tpu.memref_slice %arg6[%dma_wait3A, %dma_wait3A_25] : memref<10240x128xf32, #tpu.memory_space<vmem_shared>> -> memref<10240x128xf32, #tpu.memory_space<vmem_shared>>
        tpu.wait_indirect_dma semaphore(%run_scoped3A : memref<!tpu.dma_semaphore, #tpu.memory_space<semaphore_mem>>) src(%arg9 : memref<128x128xf32, #tpu.memory_space<vmem>>) dst(%dma_wait3A_26 : memref<10240x128xf32, #tpu.memory_space<vmem_shared>>)
        tpu.yield
      }) : () -> ()
    }
    %scan3A_18 = arith.constant 80 : i32
    %barrier3A_19 = arith.constant 0 : index
    tpu.barrier barrier_id(%barrier3A_19)
    %mul3A_20 = arith.constant 640 : i32
    %mul3A_21 = arith.muli %arg1, %mul3A_20 : i32
    "tpu.region"() ({
      %run_scoped3A = tpu.sem_alloc : memref<!tpu.dma_semaphore, #tpu.memory_space<semaphore_mem>>
      %dma_start3A = arith.constant 0 : i32
      %dma_start3A_22 = tpu.memref_slice %arg5[%arg0, %mul3A_21, %dma_start3A] : memref<2x10240x128xf32, #tpu.memory_space<hbm>> -> memref<1x640x128xf32, #tpu.memory_space<hbm>>
      %dma_start3A_23 = tpu.memref_squeeze %dma_start3A_22 : memref<1x640x128xf32, #tpu.memory_space<hbm>> -> memref<640x128xf32, #tpu.memory_space<hbm>>
      %dma_start3A_24 = arith.constant 0 : i32
      %dma_start3A_25 = tpu.memref_slice %arg6[%mul3A_21, %dma_start3A_24] : memref<10240x128xf32, #tpu.memory_space<vmem_shared>> -> memref<640x128xf32, #tpu.memory_space<vmem_shared>>
      tpu.enqueue_dma source(%dma_start3A_25 : memref<640x128xf32, #tpu.memory_space<vmem_shared>>) target(%dma_start3A_23 : memref<640x128xf32, #tpu.memory_space<hbm>>) target_semaphore(%run_scoped3A : memref<!tpu.dma_semaphore, #tpu.memory_space<semaphore_mem>>)
      %dma_wait3A = arith.constant 0 : i32
      %dma_wait3A_26 = tpu.memref_slice %arg5[%arg0, %mul3A_21, %dma_wait3A] : memref<2x10240x128xf32, #tpu.memory_space<hbm>> -> memref<1x640x128xf32, #tpu.memory_space<hbm>>
      %dma_wait3A_27 = tpu.memref_squeeze %dma_wait3A_26 : memref<1x640x128xf32, #tpu.memory_space<hbm>> -> memref<640x128xf32, #tpu.memory_space<hbm>>
      %dma_wait3A_28 = arith.constant 0 : i32
      %dma_wait3A_29 = tpu.memref_slice %arg6[%mul3A_21, %dma_wait3A_28] : memref<10240x128xf32, #tpu.memory_space<vmem_shared>> -> memref<640x128xf32, #tpu.memory_space<vmem_shared>>
      tpu.wait_dma2 semaphore(%run_scoped3A : memref<!tpu.dma_semaphore, #tpu.memory_space<semaphore_mem>>) src(%dma_wait3A_29 : memref<640x128xf32, #tpu.memory_space<vmem_shared>>) dst(%dma_wait3A_27 : memref<640x128xf32, #tpu.memory_space<hbm>>)
      tpu.yield
    }) : () -> ()
    return
  }
}

#map = affine_map<(d0, d1) -> (0, 0, 0)>
module attributes {stable_mosaic.version = 14 : i64} {
  func.func @_deg_body(%arg0: i32, %arg1: i32, %arg2: memref<32x80x128xi32, #tpu.memory_space<hbm>>, %arg3: memref<2x10240x128xf32, #tpu.memory_space<hbm>>, %arg4: memref<10240x128xf32, #tpu.memory_space<vmem_shared>>, %arg5: memref<128xi32, #tpu.memory_space<vmem>>, %arg6: memref<128x128xf32, #tpu.memory_space<vmem>>, %arg7: memref<32x128xf32, #tpu.memory_space<vmem>>) attributes {dimension_semantics = [#tpu.dimension_semantics<core_parallel>, #tpu.dimension_semantics<subcore_parallel>], iteration_bounds = array<i64: 2, 16>, scalar_prefetch = 0 : i64, scratch_operands = 4 : i64, tpu.core_type = #tpu.core_type<sc_vector_subcore>, window_params = [{transform_indices = #map}, {transform_indices = #map}]} {
    %mul3A = arith.constant 2 : i32
    %mul3A_0 = arith.muli %arg1, %mul3A : i32
    %add3A = arith.addi %mul3A_0, %arg0 : i32
    %broadcast_in_dim3A = arith.constant 0.000000e+00 : f32
    %broadcast_in_dim3A_1 = vector.broadcast %broadcast_in_dim3A : f32 to vector<16xf32>
    %broadcast_in_dim3A_2 = arith.constant 1.000000e+00 : f32
    %broadcast_in_dim3A_3 = vector.broadcast %broadcast_in_dim3A_2 : f32 to vector<16xf32>
    %scan3A = arith.constant 0 : i32
    %scan3A_4 = arith.constant 0 : i32
    %scan3A_5 = arith.constant 128 : i32
    %scan3A_6 = arith.addi %scan3A_4, %scan3A_5 : i32
    %scan3A_7 = arith.constant 1 : i32
    scf.for %scan3A_24 = %scan3A_4 to %scan3A_6 step %scan3A_7  : i32 {
      %swap3A = arith.index_cast %scan3A_24 : i32 to index
      %swap3A_25 = arith.constant 0 : index
      %swap3A_26 = tpu.vector_load %arg6[%swap3A, %swap3A_25] {strides = array<i32>} : memref<128x128xf32, #tpu.memory_space<vmem>>, vector<1x16xf32>,
      %swap3A_27 = vector.shape_cast %swap3A_26 : vector<1x16xf32> to vector<16xf32>
      %swap3A_28 = vector.shape_cast %broadcast_in_dim3A_3 : vector<16xf32> to vector<1x16xf32>
      tpu.vector_store %arg6[%swap3A, %swap3A_25], %swap3A_28 {strides = array<i32>} : memref<128x128xf32, #tpu.memory_space<vmem>>, vector<1x16xf32>,
      %jit3A = arith.constant 32 : i32
      %eq3A = arith.constant 0 : i32
      %eq3A_29 = arith.cmpi eq, %jit3A, %eq3A : i32
      %jit3A_30 = arith.constant 1 : i32
      %select_n3A = arith.select %eq3A_29, %jit3A_30, %jit3A : i32
      %rem3A = arith.remsi %scan3A_24, %select_n3A : i32
      %ne3A = arith.constant 0 : i32
      %ne3A_31 = arith.cmpi ne, %rem3A, %ne3A : i32
      %lt3A = arith.constant 0 : i32
      %lt3A_32 = arith.cmpi slt, %rem3A, %lt3A : i32
      %lt3A_33 = arith.constant 0 : i32
      %lt3A_34 = arith.cmpi slt, %select_n3A, %lt3A_33 : i32
      %ne3A_35 = arith.xori %lt3A_32, %lt3A_34 : i1
      %and3A = arith.andi %ne3A_35, %ne3A_31 : i1
      %add3A_36 = arith.addi %rem3A, %select_n3A : i32
      %select_n3A_37 = arith.select %and3A, %add3A_36, %rem3A : i32
      %swap3A_38 = arith.index_cast %select_n3A_37 : i32 to index
      %swap3A_39 = arith.constant 0 : index
      %swap3A_40 = tpu.vector_load %arg7[%swap3A_38, %swap3A_39] {strides = array<i32>} : memref<32x128xf32, #tpu.memory_space<vmem>>, vector<1x16xf32>,
      %swap3A_41 = vector.shape_cast %swap3A_40 : vector<1x16xf32> to vector<16xf32>
      %swap3A_42 = vector.shape_cast %broadcast_in_dim3A_1 : vector<16xf32> to vector<1x16xf32>
      tpu.vector_store %arg7[%swap3A_38, %swap3A_39], %swap3A_42 {strides = array<i32>} : memref<32x128xf32, #tpu.memory_space<vmem>>, vector<1x16xf32>,
      %swap3A_43 = arith.index_cast %scan3A_24 : i32 to index
      %swap3A_44 = arith.constant 16 : index
      %swap3A_45 = tpu.vector_load %arg6[%swap3A_43, %swap3A_44] {strides = array<i32>} : memref<128x128xf32, #tpu.memory_space<vmem>>, vector<1x16xf32>,
      %swap3A_46 = vector.shape_cast %swap3A_45 : vector<1x16xf32> to vector<16xf32>
      %swap3A_47 = vector.shape_cast %broadcast_in_dim3A_3 : vector<16xf32> to vector<1x16xf32>
      tpu.vector_store %arg6[%swap3A_43, %swap3A_44], %swap3A_47 {strides = array<i32>} : memref<128x128xf32, #tpu.memory_space<vmem>>, vector<1x16xf32>,
      %jit3A_48 = arith.constant 32 : i32
      %eq3A_49 = arith.constant 0 : i32
      %eq3A_50 = arith.cmpi eq, %jit3A_48, %eq3A_49 : i32
      %jit3A_51 = arith.constant 1 : i32
      %select_n3A_52 = arith.select %eq3A_50, %jit3A_51, %jit3A_48 : i32
      %rem3A_53 = arith.remsi %scan3A_24, %select_n3A_52 : i32
      %ne3A_54 = arith.constant 0 : i32
      %ne3A_55 = arith.cmpi ne, %rem3A_53, %ne3A_54 : i32
      %lt3A_56 = arith.constant 0 : i32
      %lt3A_57 = arith.cmpi slt, %rem3A_53, %lt3A_56 : i32
      %lt3A_58 = arith.constant 0 : i32
      %lt3A_59 = arith.cmpi slt, %select_n3A_52, %lt3A_58 : i32
      %ne3A_60 = arith.xori %lt3A_57, %lt3A_59 : i1
      %and3A_61 = arith.andi %ne3A_60, %ne3A_55 : i1
      %add3A_62 = arith.addi %rem3A_53, %select_n3A_52 : i32
      %select_n3A_63 = arith.select %and3A_61, %add3A_62, %rem3A_53 : i32
      %swap3A_64 = arith.index_cast %select_n3A_63 : i32 to index
      %swap3A_65 = arith.constant 16 : index
      %swap3A_66 = tpu.vector_load %arg7[%swap3A_64, %swap3A_65] {strides = array<i32>} : memref<32x128xf32, #tpu.memory_space<vmem>>, vector<1x16xf32>,
      %swap3A_67 = vector.shape_cast %swap3A_66 : vector<1x16xf32> to vector<16xf32>
      %swap3A_68 = vector.shape_cast %broadcast_in_dim3A_1 : vector<16xf32> to vector<1x16xf32>
      tpu.vector_store %arg7[%swap3A_64, %swap3A_65], %swap3A_68 {strides = array<i32>} : memref<32x128xf32, #tpu.memory_space<vmem>>, vector<1x16xf32>,
      %swap3A_69 = arith.index_cast %scan3A_24 : i32 to index
      %swap3A_70 = arith.constant 32 : index
      %swap3A_71 = tpu.vector_load %arg6[%swap3A_69, %swap3A_70] {strides = array<i32>} : memref<128x128xf32, #tpu.memory_space<vmem>>, vector<1x16xf32>,
      %swap3A_72 = vector.shape_cast %swap3A_71 : vector<1x16xf32> to vector<16xf32>
      %swap3A_73 = vector.shape_cast %broadcast_in_dim3A_3 : vector<16xf32> to vector<1x16xf32>
      tpu.vector_store %arg6[%swap3A_69, %swap3A_70], %swap3A_73 {strides = array<i32>} : memref<128x128xf32, #tpu.memory_space<vmem>>, vector<1x16xf32>,
      %jit3A_74 = arith.constant 32 : i32
      %eq3A_75 = arith.constant 0 : i32
      %eq3A_76 = arith.cmpi eq, %jit3A_74, %eq3A_75 : i32
      %jit3A_77 = arith.constant 1 : i32
      %select_n3A_78 = arith.select %eq3A_76, %jit3A_77, %jit3A_74 : i32
      %rem3A_79 = arith.remsi %scan3A_24, %select_n3A_78 : i32
      %ne3A_80 = arith.constant 0 : i32
      %ne3A_81 = arith.cmpi ne, %rem3A_79, %ne3A_80 : i32
      %lt3A_82 = arith.constant 0 : i32
      %lt3A_83 = arith.cmpi slt, %rem3A_79, %lt3A_82 : i32
      %lt3A_84 = arith.constant 0 : i32
      %lt3A_85 = arith.cmpi slt, %select_n3A_78, %lt3A_84 : i32
      %ne3A_86 = arith.xori %lt3A_83, %lt3A_85 : i1
      %and3A_87 = arith.andi %ne3A_86, %ne3A_81 : i1
      %add3A_88 = arith.addi %rem3A_79, %select_n3A_78 : i32
      %select_n3A_89 = arith.select %and3A_87, %add3A_88, %rem3A_79 : i32
      %swap3A_90 = arith.index_cast %select_n3A_89 : i32 to index
      %swap3A_91 = arith.constant 32 : index
      %swap3A_92 = tpu.vector_load %arg7[%swap3A_90, %swap3A_91] {strides = array<i32>} : memref<32x128xf32, #tpu.memory_space<vmem>>, vector<1x16xf32>,
      %swap3A_93 = vector.shape_cast %swap3A_92 : vector<1x16xf32> to vector<16xf32>
      %swap3A_94 = vector.shape_cast %broadcast_in_dim3A_1 : vector<16xf32> to vector<1x16xf32>
      tpu.vector_store %arg7[%swap3A_90, %swap3A_91], %swap3A_94 {strides = array<i32>} : memref<32x128xf32, #tpu.memory_space<vmem>>, vector<1x16xf32>,
      %swap3A_95 = arith.index_cast %scan3A_24 : i32 to index
      %swap3A_96 = arith.constant 48 : index
      %swap3A_97 = tpu.vector_load %arg6[%swap3A_95, %swap3A_96] {strides = array<i32>} : memref<128x128xf32, #tpu.memory_space<vmem>>, vector<1x16xf32>,
      %swap3A_98 = vector.shape_cast %swap3A_97 : vector<1x16xf32> to vector<16xf32>
      %swap3A_99 = vector.shape_cast %broadcast_in_dim3A_3 : vector<16xf32> to vector<1x16xf32>
      tpu.vector_store %arg6[%swap3A_95, %swap3A_96], %swap3A_99 {strides = array<i32>} : memref<128x128xf32, #tpu.memory_space<vmem>>, vector<1x16xf32>,
      %jit3A_100 = arith.constant 32 : i32
      %eq3A_101 = arith.constant 0 : i32
      %eq3A_102 = arith.cmpi eq, %jit3A_100, %eq3A_101 : i32
      %jit3A_103 = arith.constant 1 : i32
      %select_n3A_104 = arith.select %eq3A_102, %jit3A_103, %jit3A_100 : i32
      %rem3A_105 = arith.remsi %scan3A_24, %select_n3A_104 : i32
      %ne3A_106 = arith.constant 0 : i32
      %ne3A_107 = arith.cmpi ne, %rem3A_105, %ne3A_106 : i32
      %lt3A_108 = arith.constant 0 : i32
      %lt3A_109 = arith.cmpi slt, %rem3A_105, %lt3A_108 : i32
      %lt3A_110 = arith.constant 0 : i32
      %lt3A_111 = arith.cmpi slt, %select_n3A_104, %lt3A_110 : i32
      %ne3A_112 = arith.xori %lt3A_109, %lt3A_111 : i1
      %and3A_113 = arith.andi %ne3A_112, %ne3A_107 : i1
      %add3A_114 = arith.addi %rem3A_105, %select_n3A_104 : i32
      %select_n3A_115 = arith.select %and3A_113, %add3A_114, %rem3A_105 : i32
      %swap3A_116 = arith.index_cast %select_n3A_115 : i32 to index
      %swap3A_117 = arith.constant 48 : index
      %swap3A_118 = tpu.vector_load %arg7[%swap3A_116, %swap3A_117] {strides = array<i32>} : memref<32x128xf32, #tpu.memory_space<vmem>>, vector<1x16xf32>,
      %swap3A_119 = vector.shape_cast %swap3A_118 : vector<1x16xf32> to vector<16xf32>
      %swap3A_120 = vector.shape_cast %broadcast_in_dim3A_1 : vector<16xf32> to vector<1x16xf32>
      tpu.vector_store %arg7[%swap3A_116, %swap3A_117], %swap3A_120 {strides = array<i32>} : memref<32x128xf32, #tpu.memory_space<vmem>>, vector<1x16xf32>,
      %swap3A_121 = arith.index_cast %scan3A_24 : i32 to index
      %swap3A_122 = arith.constant 64 : index
      %swap3A_123 = tpu.vector_load %arg6[%swap3A_121, %swap3A_122] {strides = array<i32>} : memref<128x128xf32, #tpu.memory_space<vmem>>, vector<1x16xf32>,
      %swap3A_124 = vector.shape_cast %swap3A_123 : vector<1x16xf32> to vector<16xf32>
      %swap3A_125 = vector.shape_cast %broadcast_in_dim3A_3 : vector<16xf32> to vector<1x16xf32>
      tpu.vector_store %arg6[%swap3A_121, %swap3A_122], %swap3A_125 {strides = array<i32>} : memref<128x128xf32, #tpu.memory_space<vmem>>, vector<1x16xf32>,
      %jit3A_126 = arith.constant 32 : i32
      %eq3A_127 = arith.constant 0 : i32
      %eq3A_128 = arith.cmpi eq, %jit3A_126, %eq3A_127 : i32
      %jit3A_129 = arith.constant 1 : i32
      %select_n3A_130 = arith.select %eq3A_128, %jit3A_129, %jit3A_126 : i32
      %rem3A_131 = arith.remsi %scan3A_24, %select_n3A_130 : i32
      %ne3A_132 = arith.constant 0 : i32
      %ne3A_133 = arith.cmpi ne, %rem3A_131, %ne3A_132 : i32
      %lt3A_134 = arith.constant 0 : i32
      %lt3A_135 = arith.cmpi slt, %rem3A_131, %lt3A_134 : i32
      %lt3A_136 = arith.constant 0 : i32
      %lt3A_137 = arith.cmpi slt, %select_n3A_130, %lt3A_136 : i32
      %ne3A_138 = arith.xori %lt3A_135, %lt3A_137 : i1
      %and3A_139 = arith.andi %ne3A_138, %ne3A_133 : i1
      %add3A_140 = arith.addi %rem3A_131, %select_n3A_130 : i32
      %select_n3A_141 = arith.select %and3A_139, %add3A_140, %rem3A_131 : i32
      %swap3A_142 = arith.index_cast %select_n3A_141 : i32 to index
      %swap3A_143 = arith.constant 64 : index
      %swap3A_144 = tpu.vector_load %arg7[%swap3A_142, %swap3A_143] {strides = array<i32>} : memref<32x128xf32, #tpu.memory_space<vmem>>, vector<1x16xf32>,
      %swap3A_145 = vector.shape_cast %swap3A_144 : vector<1x16xf32> to vector<16xf32>
      %swap3A_146 = vector.shape_cast %broadcast_in_dim3A_1 : vector<16xf32> to vector<1x16xf32>
      tpu.vector_store %arg7[%swap3A_142, %swap3A_143], %swap3A_146 {strides = array<i32>} : memref<32x128xf32, #tpu.memory_space<vmem>>, vector<1x16xf32>,
      %swap3A_147 = arith.index_cast %scan3A_24 : i32 to index
      %swap3A_148 = arith.constant 80 : index
      %swap3A_149 = tpu.vector_load %arg6[%swap3A_147, %swap3A_148] {strides = array<i32>} : memref<128x128xf32, #tpu.memory_space<vmem>>, vector<1x16xf32>,
      %swap3A_150 = vector.shape_cast %swap3A_149 : vector<1x16xf32> to vector<16xf32>
      %swap3A_151 = vector.shape_cast %broadcast_in_dim3A_3 : vector<16xf32> to vector<1x16xf32>
      tpu.vector_store %arg6[%swap3A_147, %swap3A_148], %swap3A_151 {strides = array<i32>} : memref<128x128xf32, #tpu.memory_space<vmem>>, vector<1x16xf32>,
      %jit3A_152 = arith.constant 32 : i32
      %eq3A_153 = arith.constant 0 : i32
      %eq3A_154 = arith.cmpi eq, %jit3A_152, %eq3A_153 : i32
      %jit3A_155 = arith.constant 1 : i32
      %select_n3A_156 = arith.select %eq3A_154, %jit3A_155, %jit3A_152 : i32
      %rem3A_157 = arith.remsi %scan3A_24, %select_n3A_156 : i32
      %ne3A_158 = arith.constant 0 : i32
      %ne3A_159 = arith.cmpi ne, %rem3A_157, %ne3A_158 : i32
      %lt3A_160 = arith.constant 0 : i32
      %lt3A_161 = arith.cmpi slt, %rem3A_157, %lt3A_160 : i32
      %lt3A_162 = arith.constant 0 : i32
      %lt3A_163 = arith.cmpi slt, %select_n3A_156, %lt3A_162 : i32
      %ne3A_164 = arith.xori %lt3A_161, %lt3A_163 : i1
      %and3A_165 = arith.andi %ne3A_164, %ne3A_159 : i1
      %add3A_166 = arith.addi %rem3A_157, %select_n3A_156 : i32
      %select_n3A_167 = arith.select %and3A_165, %add3A_166, %rem3A_157 : i32
      %swap3A_168 = arith.index_cast %select_n3A_167 : i32 to index
      %swap3A_169 = arith.constant 80 : index
      %swap3A_170 = tpu.vector_load %arg7[%swap3A_168, %swap3A_169] {strides = array<i32>} : memref<32x128xf32, #tpu.memory_space<vmem>>, vector<1x16xf32>,
      %swap3A_171 = vector.shape_cast %swap3A_170 : vector<1x16xf32> to vector<16xf32>
      %swap3A_172 = vector.shape_cast %broadcast_in_dim3A_1 : vector<16xf32> to vector<1x16xf32>
      tpu.vector_store %arg7[%swap3A_168, %swap3A_169], %swap3A_172 {strides = array<i32>} : memref<32x128xf32, #tpu.memory_space<vmem>>, vector<1x16xf32>,
      %swap3A_173 = arith.index_cast %scan3A_24 : i32 to index
      %swap3A_174 = arith.constant 96 : index
      %swap3A_175 = tpu.vector_load %arg6[%swap3A_173, %swap3A_174] {strides = array<i32>} : memref<128x128xf32, #tpu.memory_space<vmem>>, vector<1x16xf32>,
      %swap3A_176 = vector.shape_cast %swap3A_175 : vector<1x16xf32> to vector<16xf32>
      %swap3A_177 = vector.shape_cast %broadcast_in_dim3A_3 : vector<16xf32> to vector<1x16xf32>
      tpu.vector_store %arg6[%swap3A_173, %swap3A_174], %swap3A_177 {strides = array<i32>} : memref<128x128xf32, #tpu.memory_space<vmem>>, vector<1x16xf32>,
      %jit3A_178 = arith.constant 32 : i32
      %eq3A_179 = arith.constant 0 : i32
      %eq3A_180 = arith.cmpi eq, %jit3A_178, %eq3A_179 : i32
      %jit3A_181 = arith.constant 1 : i32
      %select_n3A_182 = arith.select %eq3A_180, %jit3A_181, %jit3A_178 : i32
      %rem3A_183 = arith.remsi %scan3A_24, %select_n3A_182 : i32
      %ne3A_184 = arith.constant 0 : i32
      %ne3A_185 = arith.cmpi ne, %rem3A_183, %ne3A_184 : i32
      %lt3A_186 = arith.constant 0 : i32
      %lt3A_187 = arith.cmpi slt, %rem3A_183, %lt3A_186 : i32
      %lt3A_188 = arith.constant 0 : i32
      %lt3A_189 = arith.cmpi slt, %select_n3A_182, %lt3A_188 : i32
      %ne3A_190 = arith.xori %lt3A_187, %lt3A_189 : i1
      %and3A_191 = arith.andi %ne3A_190, %ne3A_185 : i1
      %add3A_192 = arith.addi %rem3A_183, %select_n3A_182 : i32
      %select_n3A_193 = arith.select %and3A_191, %add3A_192, %rem3A_183 : i32
      %swap3A_194 = arith.index_cast %select_n3A_193 : i32 to index
      %swap3A_195 = arith.constant 96 : index
      %swap3A_196 = tpu.vector_load %arg7[%swap3A_194, %swap3A_195] {strides = array<i32>} : memref<32x128xf32, #tpu.memory_space<vmem>>, vector<1x16xf32>,
      %swap3A_197 = vector.shape_cast %swap3A_196 : vector<1x16xf32> to vector<16xf32>
      %swap3A_198 = vector.shape_cast %broadcast_in_dim3A_1 : vector<16xf32> to vector<1x16xf32>
      tpu.vector_store %arg7[%swap3A_194, %swap3A_195], %swap3A_198 {strides = array<i32>} : memref<32x128xf32, #tpu.memory_space<vmem>>, vector<1x16xf32>,
      %swap3A_199 = arith.index_cast %scan3A_24 : i32 to index
      %swap3A_200 = arith.constant 112 : index
      %swap3A_201 = tpu.vector_load %arg6[%swap3A_199, %swap3A_200] {strides = array<i32>} : memref<128x128xf32, #tpu.memory_space<vmem>>, vector<1x16xf32>,
      %swap3A_202 = vector.shape_cast %swap3A_201 : vector<1x16xf32> to vector<16xf32>
      %swap3A_203 = vector.shape_cast %broadcast_in_dim3A_3 : vector<16xf32> to vector<1x16xf32>
      tpu.vector_store %arg6[%swap3A_199, %swap3A_200], %swap3A_203 {strides = array<i32>} : memref<128x128xf32, #tpu.memory_space<vmem>>, vector<1x16xf32>,
      %jit3A_204 = arith.constant 32 : i32
      %eq3A_205 = arith.constant 0 : i32
      %eq3A_206 = arith.cmpi eq, %jit3A_204, %eq3A_205 : i32
      %jit3A_207 = arith.constant 1 : i32
      %select_n3A_208 = arith.select %eq3A_206, %jit3A_207, %jit3A_204 : i32
      %rem3A_209 = arith.remsi %scan3A_24, %select_n3A_208 : i32
      %ne3A_210 = arith.constant 0 : i32
      %ne3A_211 = arith.cmpi ne, %rem3A_209, %ne3A_210 : i32
      %lt3A_212 = arith.constant 0 : i32
      %lt3A_213 = arith.cmpi slt, %rem3A_209, %lt3A_212 : i32
      %lt3A_214 = arith.constant 0 : i32
      %lt3A_215 = arith.cmpi slt, %select_n3A_208, %lt3A_214 : i32
      %ne3A_216 = arith.xori %lt3A_213, %lt3A_215 : i1
      %and3A_217 = arith.andi %ne3A_216, %ne3A_211 : i1
      %add3A_218 = arith.addi %rem3A_209, %select_n3A_208 : i32
      %select_n3A_219 = arith.select %and3A_217, %add3A_218, %rem3A_209 : i32
      %swap3A_220 = arith.index_cast %select_n3A_219 : i32 to index
      %swap3A_221 = arith.constant 112 : index
      %swap3A_222 = tpu.vector_load %arg7[%swap3A_220, %swap3A_221] {strides = array<i32>} : memref<32x128xf32, #tpu.memory_space<vmem>>, vector<1x16xf32>,
      %swap3A_223 = vector.shape_cast %swap3A_222 : vector<1x16xf32> to vector<16xf32>
      %swap3A_224 = vector.shape_cast %broadcast_in_dim3A_1 : vector<16xf32> to vector<1x16xf32>
      tpu.vector_store %arg7[%swap3A_220, %swap3A_221], %swap3A_224 {strides = array<i32>} : memref<32x128xf32, #tpu.memory_space<vmem>>, vector<1x16xf32>,
    }
    %scan3A_8 = arith.constant 128 : i32
    %scan3A_9 = arith.constant 0 : i32
    %scan3A_10 = arith.constant 0 : i32
    %scan3A_11 = arith.constant 20 : i32
    %scan3A_12 = arith.addi %scan3A_10, %scan3A_11 : i32
    %scan3A_13 = arith.constant 1 : i32
    scf.for %scan3A_24 = %scan3A_10 to %scan3A_12 step %scan3A_13  : i32 {
      %mul3A_25 = arith.constant 640 : i32
      %mul3A_26 = arith.muli %arg1, %mul3A_25 : i32
      %mul3A_27 = arith.constant 32 : i32
      %mul3A_28 = arith.muli %scan3A_24, %mul3A_27 : i32
      %add3A_29 = arith.addi %mul3A_26, %mul3A_28 : i32
      "tpu.region"() ({
        %run_scoped3A = tpu.sem_alloc : memref<!tpu.dma_semaphore, #tpu.memory_space<semaphore_mem>>
        %dma_start3A = arith.constant 0 : i32
        %dma_start3A_30 = tpu.memref_slice %arg4[%add3A_29, %dma_start3A] : memref<10240x128xf32, #tpu.memory_space<vmem_shared>> -> memref<32x128xf32, #tpu.memory_space<vmem_shared>>
        %dma_start3A_31 = arith.constant 0 : i32
        %dma_start3A_32 = tpu.memref_slice %arg4[%add3A_29, %dma_start3A_31] : memref<10240x128xf32, #tpu.memory_space<vmem_shared>> -> memref<32x128xf32, #tpu.memory_space<vmem_shared>>
        tpu.enqueue_dma source(%arg7 : memref<32x128xf32, #tpu.memory_space<vmem>>) target(%dma_start3A_32 : memref<32x128xf32, #tpu.memory_space<vmem_shared>>) target_semaphore(%run_scoped3A : memref<!tpu.dma_semaphore, #tpu.memory_space<semaphore_mem>>)
        %dma_wait3A = arith.constant 0 : i32
        %dma_wait3A_33 = tpu.memref_slice %arg4[%add3A_29, %dma_wait3A] : memref<10240x128xf32, #tpu.memory_space<vmem_shared>> -> memref<32x128xf32, #tpu.memory_space<vmem_shared>>
        %dma_wait3A_34 = arith.constant 0 : i32
        %dma_wait3A_35 = tpu.memref_slice %arg4[%add3A_29, %dma_wait3A_34] : memref<10240x128xf32, #tpu.memory_space<vmem_shared>> -> memref<32x128xf32, #tpu.memory_space<vmem_shared>>
        tpu.wait_dma2 semaphore(%run_scoped3A : memref<!tpu.dma_semaphore, #tpu.memory_space<semaphore_mem>>) src(%arg7 : memref<32x128xf32, #tpu.memory_space<vmem>>) dst(%dma_wait3A_35 : memref<32x128xf32, #tpu.memory_space<vmem_shared>>)
        tpu.yield
      }) : () -> ()
    }
    %scan3A_14 = arith.constant 20 : i32
    %barrier3A = arith.constant 0 : index
    tpu.barrier barrier_id(%barrier3A)
    %scan3A_15 = arith.constant 0 : i32
    %scan3A_16 = arith.constant 0 : i32
    %scan3A_17 = arith.constant 80 : i32
    %scan3A_18 = arith.addi %scan3A_16, %scan3A_17 : i32
    %scan3A_19 = arith.constant 1 : i32
    scf.for %scan3A_24 = %scan3A_16 to %scan3A_18 step %scan3A_19  : i32 {
      "tpu.region"() ({
        %run_scoped3A = tpu.sem_alloc : memref<!tpu.dma_semaphore, #tpu.memory_space<semaphore_mem>>
        %dma_start3A = arith.constant 0 : i32
        %dma_start3A_25 = tpu.memref_slice %arg2[%add3A, %scan3A_24, %dma_start3A] : memref<32x80x128xi32, #tpu.memory_space<hbm>> -> memref<1x1x128xi32, #tpu.memory_space<hbm>>
        %dma_start3A_26 = tpu.memref_squeeze %dma_start3A_25 : memref<1x1x128xi32, #tpu.memory_space<hbm>> -> memref<128xi32, #tpu.memory_space<hbm>>
        %dma_start3A_27 = arith.constant 0 : i32
        %dma_start3A_28 = tpu.memref_slice %arg2[%add3A, %scan3A_24, %dma_start3A_27] : memref<32x80x128xi32, #tpu.memory_space<hbm>> -> memref<1x1x128xi32, #tpu.memory_space<hbm>>
        %dma_start3A_29 = tpu.memref_squeeze %dma_start3A_28 : memref<1x1x128xi32, #tpu.memory_space<hbm>> -> memref<128xi32, #tpu.memory_space<hbm>>
        tpu.enqueue_dma source(%dma_start3A_29 : memref<128xi32, #tpu.memory_space<hbm>>) target(%arg5 : memref<128xi32, #tpu.memory_space<vmem>>) target_semaphore(%run_scoped3A : memref<!tpu.dma_semaphore, #tpu.memory_space<semaphore_mem>>)
        %dma_wait3A = arith.constant 0 : i32
        %dma_wait3A_30 = tpu.memref_slice %arg2[%add3A, %scan3A_24, %dma_wait3A] : memref<32x80x128xi32, #tpu.memory_space<hbm>> -> memref<1x1x128xi32, #tpu.memory_space<hbm>>
        %dma_wait3A_31 = tpu.memref_squeeze %dma_wait3A_30 : memref<1x1x128xi32, #tpu.memory_space<hbm>> -> memref<128xi32, #tpu.memory_space<hbm>>
        %dma_wait3A_32 = arith.constant 0 : i32
        %dma_wait3A_33 = tpu.memref_slice %arg2[%add3A, %scan3A_24, %dma_wait3A_32] : memref<32x80x128xi32, #tpu.memory_space<hbm>> -> memref<1x1x128xi32, #tpu.memory_space<hbm>>
        %dma_wait3A_34 = tpu.memref_squeeze %dma_wait3A_33 : memref<1x1x128xi32, #tpu.memory_space<hbm>> -> memref<128xi32, #tpu.memory_space<hbm>>
        tpu.wait_dma2 semaphore(%run_scoped3A : memref<!tpu.dma_semaphore, #tpu.memory_space<semaphore_mem>>) src(%dma_wait3A_34 : memref<128xi32, #tpu.memory_space<hbm>>) dst(%arg5 : memref<128xi32, #tpu.memory_space<vmem>>)
        tpu.yield
      }) : () -> ()
      "tpu.region"() ({
        %run_scoped3A = tpu.sem_alloc : memref<!tpu.dma_semaphore, #tpu.memory_space<semaphore_mem>>
        %dma_start3A = arith.constant 0 : i32
        %dma_start3A_25 = arith.constant 0 : i32
        %dma_start3A_26 = tpu.memref_slice %arg4[%dma_start3A, %dma_start3A_25] : memref<10240x128xf32, #tpu.memory_space<vmem_shared>> -> memref<10240x128xf32, #tpu.memory_space<vmem_shared>>
        tpu.enqueue_indirect_dma source(%arg6 : memref<128x128xf32, #tpu.memory_space<vmem>>) target(%dma_start3A_26 : memref<10240x128xf32, #tpu.memory_space<vmem_shared>>) offsets(%arg5 : memref<128xi32, #tpu.memory_space<vmem>>) semaphore(%run_scoped3A : memref<!tpu.dma_semaphore, #tpu.memory_space<semaphore_mem>>) {add = true}
        %dma_wait3A = arith.constant 0 : i32
        %dma_wait3A_27 = arith.constant 0 : i32
        %dma_wait3A_28 = tpu.memref_slice %arg4[%dma_wait3A, %dma_wait3A_27] : memref<10240x128xf32, #tpu.memory_space<vmem_shared>> -> memref<10240x128xf32, #tpu.memory_space<vmem_shared>>
        tpu.wait_indirect_dma semaphore(%run_scoped3A : memref<!tpu.dma_semaphore, #tpu.memory_space<semaphore_mem>>) src(%arg6 : memref<128x128xf32, #tpu.memory_space<vmem>>) dst(%dma_wait3A_28 : memref<10240x128xf32, #tpu.memory_space<vmem_shared>>)
        tpu.yield
      }) : () -> ()
    }
    %scan3A_20 = arith.constant 80 : i32
    %barrier3A_21 = arith.constant 0 : index
    tpu.barrier barrier_id(%barrier3A_21)
    %mul3A_22 = arith.constant 640 : i32
    %mul3A_23 = arith.muli %arg1, %mul3A_22 : i32
    "tpu.region"() ({
      %run_scoped3A = tpu.sem_alloc : memref<!tpu.dma_semaphore, #tpu.memory_space<semaphore_mem>>
      %dma_start3A = arith.constant 0 : i32
      %dma_start3A_24 = tpu.memref_slice %arg3[%arg0, %mul3A_23, %dma_start3A] : memref<2x10240x128xf32, #tpu.memory_space<hbm>> -> memref<1x640x128xf32, #tpu.memory_space<hbm>>
      %dma_start3A_25 = tpu.memref_squeeze %dma_start3A_24 : memref<1x640x128xf32, #tpu.memory_space<hbm>> -> memref<640x128xf32, #tpu.memory_space<hbm>>
      %dma_start3A_26 = arith.constant 0 : i32
      %dma_start3A_27 = tpu.memref_slice %arg4[%mul3A_23, %dma_start3A_26] : memref<10240x128xf32, #tpu.memory_space<vmem_shared>> -> memref<640x128xf32, #tpu.memory_space<vmem_shared>>
      tpu.enqueue_dma source(%dma_start3A_27 : memref<640x128xf32, #tpu.memory_space<vmem_shared>>) target(%dma_start3A_25 : memref<640x128xf32, #tpu.memory_space<hbm>>) target_semaphore(%run_scoped3A : memref<!tpu.dma_semaphore, #tpu.memory_space<semaphore_mem>>)
      %dma_wait3A = arith.constant 0 : i32
      %dma_wait3A_28 = tpu.memref_slice %arg3[%arg0, %mul3A_23, %dma_wait3A] : memref<2x10240x128xf32, #tpu.memory_space<hbm>> -> memref<1x640x128xf32, #tpu.memory_space<hbm>>
      %dma_wait3A_29 = tpu.memref_squeeze %dma_wait3A_28 : memref<1x640x128xf32, #tpu.memory_space<hbm>> -> memref<640x128xf32, #tpu.memory_space<hbm>>
      %dma_wait3A_30 = arith.constant 0 : i32
      %dma_wait3A_31 = tpu.memref_slice %arg4[%mul3A_23, %dma_wait3A_30] : memref<10240x128xf32, #tpu.memory_space<vmem_shared>> -> memref<640x128xf32, #tpu.memory_space<vmem_shared>>
      tpu.wait_dma2 semaphore(%run_scoped3A : memref<!tpu.dma_semaphore, #tpu.memory_space<semaphore_mem>>) src(%dma_wait3A_31 : memref<640x128xf32, #tpu.memory_space<vmem_shared>>) dst(%dma_wait3A_29 : memref<640x128xf32, #tpu.memory_space<hbm>>)
      tpu.yield
    }) : () -> ()
    return
  }
}

module attributes {stable_mosaic.version = 14 : i64} {
  func.func @_tc1_body(%arg0: i32, %arg1: memref<2x1024x128xf32, #tpu.memory_space<vmem>>, %arg2: memref<2x1024x128xf32, #tpu.memory_space<vmem>>, %arg3: memref<1024x128xf32, #tpu.memory_space<vmem>>, %arg4: memref<128x64xf32, #tpu.memory_space<vmem>>, %arg5: memref<128x64xf32, #tpu.memory_space<vmem>>, %arg6: memref<1x64xf32, #tpu.memory_space<vmem>>, %arg7: memref<1024x128xf32, #tpu.memory_space<vmem>>) attributes {dimension_semantics = [#tpu.dimension_semantics<arbitrary>], iteration_bounds = array<i64: 10>, scalar_prefetch = 0 : i64, scratch_operands = 0 : i64, tpu.core_type = #tpu.core_type<tc>, window_params = [{transform_indices = @transform_0, window_bounds = array<i64: 2, 1024, 128>}, {transform_indices = @transform_1, window_bounds = array<i64: 2, 1024, 128>}, {transform_indices = @transform_2, window_bounds = array<i64: 1024, 128>}, {pipeline_mode = #tpu.pipeline_mode<synchronous>, transform_indices = @transform_3, window_bounds = array<i64: 128, 64>}, {pipeline_mode = #tpu.pipeline_mode<synchronous>, transform_indices = @transform_4, window_bounds = array<i64: 128, 64>}, {pipeline_mode = #tpu.pipeline_mode<synchronous>, transform_indices = @transform_5, window_bounds = array<i64: 1, 64>}, {transform_indices = @transform_6, window_bounds = array<i64: 1024, 128>}]} {
    %get3A = arith.constant 0 : index
    %get3A_0 = arith.constant 0 : index
    %get3A_1 = arith.constant 0 : index
    %get3A_2 = vector.load %arg1[%get3A, %get3A_0, %get3A_1] : memref<2x1024x128xf32, #tpu.memory_space<vmem>>, vector<1x1024x128xf32>
    %get3A_3 = vector.shape_cast %get3A_2 : vector<1x1024x128xf32> to vector<1024x128xf32>
    %get3A_4 = arith.constant 1 : index
    %get3A_5 = arith.constant 0 : index
    %get3A_6 = arith.constant 0 : index
    %get3A_7 = vector.load %arg1[%get3A_4, %get3A_5, %get3A_6] : memref<2x1024x128xf32, #tpu.memory_space<vmem>>, vector<1x1024x128xf32>
    %get3A_8 = vector.shape_cast %get3A_7 : vector<1x1024x128xf32> to vector<1024x128xf32>
    %add3A = arith.addf %get3A_3, %get3A_8 : vector<1024x128xf32>
    %get3A_9 = arith.constant 0 : index
    %get3A_10 = arith.constant 0 : index
    %get3A_11 = arith.constant 0 : index
    %get3A_12 = vector.load %arg2[%get3A_9, %get3A_10, %get3A_11] : memref<2x1024x128xf32, #tpu.memory_space<vmem>>, vector<1x1024x1xf32>
    %get3A_13 = vector.shape_cast %get3A_12 : vector<1x1024x1xf32> to vector<1024x1xf32>
    %get3A_14 = arith.constant 1 : index
    %get3A_15 = arith.constant 0 : index
    %get3A_16 = arith.constant 0 : index
    %get3A_17 = vector.load %arg2[%get3A_14, %get3A_15, %get3A_16] : memref<2x1024x128xf32, #tpu.memory_space<vmem>>, vector<1x1024x1xf32>
    %get3A_18 = vector.shape_cast %get3A_17 : vector<1x1024x1xf32> to vector<1024x1xf32>
    %add3A_19 = arith.addf %get3A_13, %get3A_18 : vector<1024x1xf32>
    %max3A = arith.constant 1.000000e+00 : f32
    %max3A_20 = vector.broadcast %max3A : f32 to vector<1024x1xf32>
    %max3A_21 = arith.maximumf %add3A_19, %max3A_20 : vector<1024x1xf32>
    %div3A = vector.broadcast %max3A_21 : vector<1024x1xf32> to vector<1024x128xf32>
    %div3A_22 = arith.divf %add3A, %div3A : vector<1024x128xf32>
    %get3A_23 = arith.constant 0 : index
    %get3A_24 = arith.constant 0 : index
    %get3A_25 = vector.load %arg4[%get3A_23, %get3A_24] : memref<128x64xf32, #tpu.memory_space<vmem>>, vector<128x64xf32>
    %dot_general3A = arith.constant dense<0.000000e+00> : vector<1024x64xf32>
    %dot_general3A_26 = tpu.matmul %div3A_22, %get3A_25, %dot_general3A {dimension_numbers = #tpu.dot_dimension_numbers<[1], [0], [0], [1], [0, 0, 1, 1], [], []>, transpose_lhs_hint = false} : vector<1024x128xf32>, vector<128x64xf32>, vector<1024x64xf32> -> vector<1024x64xf32>
    %get3A_27 = arith.constant 0 : index
    %get3A_28 = arith.constant 0 : index
    %get3A_29 = vector.load %arg3[%get3A_27, %get3A_28] : memref<1024x128xf32, #tpu.memory_space<vmem>>, vector<1024x128xf32>
    %get3A_30 = arith.constant 0 : index
    %get3A_31 = arith.constant 0 : index
    %get3A_32 = vector.load %arg5[%get3A_30, %get3A_31] : memref<128x64xf32, #tpu.memory_space<vmem>>, vector<128x64xf32>
    %dot_general3A_33 = arith.constant dense<0.000000e+00> : vector<1024x64xf32>
    %dot_general3A_34 = tpu.matmul %get3A_29, %get3A_32, %dot_general3A_33 {dimension_numbers = #tpu.dot_dimension_numbers<[1], [0], [0], [1], [0, 0, 1, 1], [], []>, transpose_lhs_hint = false} : vector<1024x128xf32>, vector<128x64xf32>, vector<1024x64xf32> -> vector<1024x64xf32>
    %add3A_35 = arith.addf %dot_general3A_26, %dot_general3A_34 : vector<1024x64xf32>
    %get3A_36 = arith.constant 0 : index
    %get3A_37 = arith.constant 0 : index
    %get3A_38 = vector.load %arg6[%get3A_36, %get3A_37] : memref<1x64xf32, #tpu.memory_space<vmem>>, vector<1x64xf32>
    %add3A_39 = vector.broadcast %get3A_38 : vector<1x64xf32> to vector<1024x64xf32>
    %add3A_40 = arith.addf %add3A_35, %add3A_39 : vector<1024x64xf32>
    %max3A_41 = arith.constant 0.000000e+00 : f32
    %max3A_42 = vector.broadcast %max3A_41 : f32 to vector<1024x64xf32>
    %max3A_43 = arith.maximumf %add3A_40, %max3A_42 : vector<1024x64xf32>
    %concatenate3A = tpu.concatenate %max3A_43, %max3A_43 in 1 : vector<1024x64xf32>, vector<1024x64xf32> -> vector<1024x128xf32>
    %swap3A = arith.constant 0 : index
    %swap3A_44 = arith.constant 0 : index
    %swap3A_45 = vector.load %arg7[%swap3A, %swap3A_44] : memref<1024x128xf32, #tpu.memory_space<vmem>>, vector<1024x128xf32>
    tpu.vector_store %arg7[%swap3A, %swap3A_44], %concatenate3A {strides = array<i32>} : memref<1024x128xf32, #tpu.memory_space<vmem>>, vector<1024x128xf32>,
    return
  }
  func.func @transform_0(%arg0: i32) -> (i32, i32, i32) {
    %c0_i32 = arith.constant 0 : i32
    %c0_i32_0 = arith.constant 0 : i32
    %c0_i32_1 = arith.constant 0 : i32
    return %c0_i32, %arg0, %c0_i32_0 : i32, i32, i32
  }
  func.func @transform_1(%arg0: i32) -> (i32, i32, i32) {
    %c0_i32 = arith.constant 0 : i32
    %c0_i32_0 = arith.constant 0 : i32
    %c0_i32_1 = arith.constant 0 : i32
    return %c0_i32, %arg0, %c0_i32_0 : i32, i32, i32
  }
  func.func @transform_2(%arg0: i32) -> (i32, i32) {
    %c0_i32 = arith.constant 0 : i32
    %c0_i32_0 = arith.constant 0 : i32
    return %arg0, %c0_i32 : i32, i32
  }
  func.func @transform_3(%arg0: i32) -> (i32, i32) {
    %c0_i32 = arith.constant 0 : i32
    %c0_i32_0 = arith.constant 0 : i32
    %c0_i32_1 = arith.constant 0 : i32
    return %c0_i32, %c0_i32_0 : i32, i32
  }
  func.func @transform_4(%arg0: i32) -> (i32, i32) {
    %c0_i32 = arith.constant 0 : i32
    %c0_i32_0 = arith.constant 0 : i32
    %c0_i32_1 = arith.constant 0 : i32
    return %c0_i32, %c0_i32_0 : i32, i32
  }
  func.func @transform_5(%arg0: i32) -> (i32, i32) {
    %c0_i32 = arith.constant 0 : i32
    %c0_i32_0 = arith.constant 0 : i32
    %c0_i32_1 = arith.constant 0 : i32
    return %c0_i32, %c0_i32_0 : i32, i32
  }
  func.func @transform_6(%arg0: i32) -> (i32, i32) {
    %c0_i32 = arith.constant 0 : i32
    %c0_i32_0 = arith.constant 0 : i32
    return %arg0, %c0_i32 : i32, i32
  }
}

module attributes {stable_mosaic.version = 14 : i64} {
  func.func @_tc2_body(%arg0: i32, %arg1: memref<2x1024x128xf32, #tpu.memory_space<vmem>>, %arg2: memref<2x1024x128xf32, #tpu.memory_space<vmem>>, %arg3: memref<1024x128xf32, #tpu.memory_space<vmem>>, %arg4: memref<128x32xf32, #tpu.memory_space<vmem>>, %arg5: memref<128x32xf32, #tpu.memory_space<vmem>>, %arg6: memref<1x32xf32, #tpu.memory_space<vmem>>, %arg7: memref<1024x32xf32, #tpu.memory_space<vmem>>) attributes {dimension_semantics = [#tpu.dimension_semantics<arbitrary>], iteration_bounds = array<i64: 10>, scalar_prefetch = 0 : i64, scratch_operands = 0 : i64, tpu.core_type = #tpu.core_type<tc>, window_params = [{transform_indices = @transform_0, window_bounds = array<i64: 2, 1024, 128>}, {transform_indices = @transform_1, window_bounds = array<i64: 2, 1024, 128>}, {transform_indices = @transform_2, window_bounds = array<i64: 1024, 128>}, {pipeline_mode = #tpu.pipeline_mode<synchronous>, transform_indices = @transform_3, window_bounds = array<i64: 128, 32>}, {pipeline_mode = #tpu.pipeline_mode<synchronous>, transform_indices = @transform_4, window_bounds = array<i64: 128, 32>}, {pipeline_mode = #tpu.pipeline_mode<synchronous>, transform_indices = @transform_5, window_bounds = array<i64: 1, 32>}, {transform_indices = @transform_6, window_bounds = array<i64: 1024, 32>}]} {
    %get3A = arith.constant 0 : index
    %get3A_0 = arith.constant 0 : index
    %get3A_1 = arith.constant 0 : index
    %get3A_2 = vector.load %arg1[%get3A, %get3A_0, %get3A_1] : memref<2x1024x128xf32, #tpu.memory_space<vmem>>, vector<1x1024x128xf32>
    %get3A_3 = vector.shape_cast %get3A_2 : vector<1x1024x128xf32> to vector<1024x128xf32>
    %get3A_4 = arith.constant 1 : index
    %get3A_5 = arith.constant 0 : index
    %get3A_6 = arith.constant 0 : index
    %get3A_7 = vector.load %arg1[%get3A_4, %get3A_5, %get3A_6] : memref<2x1024x128xf32, #tpu.memory_space<vmem>>, vector<1x1024x128xf32>
    %get3A_8 = vector.shape_cast %get3A_7 : vector<1x1024x128xf32> to vector<1024x128xf32>
    %add3A = arith.addf %get3A_3, %get3A_8 : vector<1024x128xf32>
    %get3A_9 = arith.constant 0 : index
    %get3A_10 = arith.constant 0 : index
    %get3A_11 = arith.constant 0 : index
    %get3A_12 = vector.load %arg2[%get3A_9, %get3A_10, %get3A_11] : memref<2x1024x128xf32, #tpu.memory_space<vmem>>, vector<1x1024x1xf32>
    %get3A_13 = vector.shape_cast %get3A_12 : vector<1x1024x1xf32> to vector<1024x1xf32>
    %get3A_14 = arith.constant 1 : index
    %get3A_15 = arith.constant 0 : index
    %get3A_16 = arith.constant 0 : index
    %get3A_17 = vector.load %arg2[%get3A_14, %get3A_15, %get3A_16] : memref<2x1024x128xf32, #tpu.memory_space<vmem>>, vector<1x1024x1xf32>
    %get3A_18 = vector.shape_cast %get3A_17 : vector<1x1024x1xf32> to vector<1024x1xf32>
    %add3A_19 = arith.addf %get3A_13, %get3A_18 : vector<1024x1xf32>
    %max3A = arith.constant 1.000000e+00 : f32
    %max3A_20 = vector.broadcast %max3A : f32 to vector<1024x1xf32>
    %max3A_21 = arith.maximumf %add3A_19, %max3A_20 : vector<1024x1xf32>
    %div3A = vector.broadcast %max3A_21 : vector<1024x1xf32> to vector<1024x128xf32>
    %div3A_22 = arith.divf %add3A, %div3A : vector<1024x128xf32>
    %get3A_23 = arith.constant 0 : index
    %get3A_24 = arith.constant 0 : index
    %get3A_25 = vector.load %arg4[%get3A_23, %get3A_24] : memref<128x32xf32, #tpu.memory_space<vmem>>, vector<128x32xf32>
    %dot_general3A = arith.constant dense<0.000000e+00> : vector<1024x32xf32>
    %dot_general3A_26 = tpu.matmul %div3A_22, %get3A_25, %dot_general3A {dimension_numbers = #tpu.dot_dimension_numbers<[1], [0], [0], [1], [0, 0, 1, 1], [], []>, transpose_lhs_hint = false} : vector<1024x128xf32>, vector<128x32xf32>, vector<1024x32xf32> -> vector<1024x32xf32>
    %get3A_27 = arith.constant 0 : index
    %get3A_28 = arith.constant 0 : index
    %get3A_29 = vector.load %arg3[%get3A_27, %get3A_28] : memref<1024x128xf32, #tpu.memory_space<vmem>>, vector<1024x128xf32>
    %get3A_30 = arith.constant 0 : index
    %get3A_31 = arith.constant 0 : index
    %get3A_32 = vector.load %arg5[%get3A_30, %get3A_31] : memref<128x32xf32, #tpu.memory_space<vmem>>, vector<128x32xf32>
    %dot_general3A_33 = arith.constant dense<0.000000e+00> : vector<1024x32xf32>
    %dot_general3A_34 = tpu.matmul %get3A_29, %get3A_32, %dot_general3A_33 {dimension_numbers = #tpu.dot_dimension_numbers<[1], [0], [0], [1], [0, 0, 1, 1], [], []>, transpose_lhs_hint = false} : vector<1024x128xf32>, vector<128x32xf32>, vector<1024x32xf32> -> vector<1024x32xf32>
    %add3A_35 = arith.addf %dot_general3A_26, %dot_general3A_34 : vector<1024x32xf32>
    %get3A_36 = arith.constant 0 : index
    %get3A_37 = arith.constant 0 : index
    %get3A_38 = vector.load %arg6[%get3A_36, %get3A_37] : memref<1x32xf32, #tpu.memory_space<vmem>>, vector<1x32xf32>
    %add3A_39 = vector.broadcast %get3A_38 : vector<1x32xf32> to vector<1024x32xf32>
    %add3A_40 = arith.addf %add3A_35, %add3A_39 : vector<1024x32xf32>
    %swap3A = arith.constant 0 : index
    %swap3A_41 = arith.constant 0 : index
    %swap3A_42 = vector.load %arg7[%swap3A, %swap3A_41] : memref<1024x32xf32, #tpu.memory_space<vmem>>, vector<1024x32xf32>
    tpu.vector_store %arg7[%swap3A, %swap3A_41], %add3A_40 {strides = array<i32>} : memref<1024x32xf32, #tpu.memory_space<vmem>>, vector<1024x32xf32>,
    return
  }
  func.func @transform_0(%arg0: i32) -> (i32, i32, i32) {
    %c0_i32 = arith.constant 0 : i32
    %c0_i32_0 = arith.constant 0 : i32
    %c0_i32_1 = arith.constant 0 : i32
    return %c0_i32, %arg0, %c0_i32_0 : i32, i32, i32
  }
  func.func @transform_1(%arg0: i32) -> (i32, i32, i32) {
    %c0_i32 = arith.constant 0 : i32
    %c0_i32_0 = arith.constant 0 : i32
    %c0_i32_1 = arith.constant 0 : i32
    return %c0_i32, %arg0, %c0_i32_0 : i32, i32, i32
  }
  func.func @transform_2(%arg0: i32) -> (i32, i32) {
    %c0_i32 = arith.constant 0 : i32
    %c0_i32_0 = arith.constant 0 : i32
    return %arg0, %c0_i32 : i32, i32
  }
  func.func @transform_3(%arg0: i32) -> (i32, i32) {
    %c0_i32 = arith.constant 0 : i32
    %c0_i32_0 = arith.constant 0 : i32
    %c0_i32_1 = arith.constant 0 : i32
    return %c0_i32, %c0_i32_0 : i32, i32
  }
  func.func @transform_4(%arg0: i32) -> (i32, i32) {
    %c0_i32 = arith.constant 0 : i32
    %c0_i32_0 = arith.constant 0 : i32
    %c0_i32_1 = arith.constant 0 : i32
    return %c0_i32, %c0_i32_0 : i32, i32
  }
  func.func @transform_5(%arg0: i32) -> (i32, i32) {
    %c0_i32 = arith.constant 0 : i32
    %c0_i32_0 = arith.constant 0 : i32
    %c0_i32_1 = arith.constant 0 : i32
    return %c0_i32, %c0_i32_0 : i32, i32
  }
  func.func @transform_6(%arg0: i32) -> (i32, i32) {
    %c0_i32 = arith.constant 0 : i32
    %c0_i32_0 = arith.constant 0 : i32
    return %arg0, %c0_i32 : i32, i32
  }
}

</mosaic_0001>

<sc_bundles>
// kernel: kernel.10.cloned.1.call-start
scs
__scs_entry_jumppad:
0x0: {  	(pc) =	sbr.rel $0x88, $3  }
0x1: {  	(tag) =	ssettag $0x0;
	lr =	simm.s32 $0x1  }
0x2: {  	[smem:$0x3F99] =	sst lr;
	_ =	strace $0xD0000000  }
0x3: {  	_ = 	snop  }
0x4: {  	_ = 	snop  }
0x5: {  	_ = 	snop  }
0x6: {  	_ = 	snop  }
0x7: {  	_ = 	snop  }
__scs_overlays_trampoline_lowered:
0x8: {  	[smem:$0x3FA8] =	sst s0  }
0x9: {  	[smem:$0x3FA9] =	sst s1  }
0xa: {  	[smem:$0x3FAA] =	sst s2  }
0xb: {  	[smem:$0x3FAB] =	sst s3  }
0xc: {  	[smem:$0x3FAC] =	sst s4  }
0xd: {  	[smem:$0x3FAD] =	sst s5  }
0xe: {  	[smem:$0x3FAE] =	sst s6  }
0xf: {  	[smem:$0x3FAF] =	sst s7  }
0x10: {  	[smem:$0x3FB0] =	sst s8  }
0x11: {  	[smem:$0x3FB1] =	sst s9;
	s0 =	simm.s32 @!p0 $0x0  }
0x12: {  	s1 =	sld [smem:$0x3F97];
	s0 =	simm.s32 @p0 $0x1  }
0x13: {  	[smem:$0x3FB2] =	sst s0;
	s0 =	simm.s32 @!p1 $0x0  }
0x14: {  	s2 =	sld [smem:$0x3F96];
	s0 =	simm.s32 @p1 $0x1  }
0x15: {  	[smem:$0x3FB3] =	sst s0;
	s0 =	simm.s32 @!p2 $0x0  }
0x16: {  	s3 =	sld [smem:$0x3FDB];
	s0 =	simm.s32 @p2 $0x1  }
0x17: {  	s4 =	simm.s32 $0x1BF5;
	[smem:$0x3FB5] =	sst s0  }
0x18: {  	s0 =	sld [smem:$0x3F98];
	_ =	swait.ge [sflag:s4], $0x0  }
0x19: {  	s7 =	sld [smem:$0x3F99]  }
0x1a: {  	s8 =	sadd.s32 $0xFFFFE003, lr  }
0x1b: {  	s9 =	sadd.s32 $0xFFFFFEF7, lr;
	s5 =	simm.s32 $0xFFFFFFFF;
	p2 =	slt.u32 s8, $0xFFFFF086  }
0x1c: {  	p1 =	slt.u32 s9, $0xF7A;
	s5 =	simm.s32 @!p2 $0x0  }
0x1d: {  	s5 =	simm.s32 @p1 $0x1;
	p0 =	seq.s32 s7, s2  }
0x1e: {  	s7 =	smul.u32 @!p0 $0xF7A, s2;
	p2 =	seq.s32 @!p0 s5, $0x0  }
0x1f: {  	s9 =	smul.u32 $0xF7A, s1;
	s8 =	simm.s32 @!p0 $0x1BF5;
	p2 =	por !p2, p0  }
0x20: {  	[sflag:s8] =	ssyncset.s32 @!p0 $0xFFFFF086;
	s6 =	sadd.s32 @!p0 s3, s7;
	s7 =	simm.s32 @!p0 $0x108  }
0x21: {  	s3 =	sadd.s32 s3, s9;
	s6 =	sadd.s32 @!p0 $0x88, s6;
	s7 =	simm.s32 @p2 $0x1082  }
0x22: {  	[simem:s7], [sflag:s8] =	dma.local @!p0 [hbm:s6], $0xF7A  }
0x23: {  	s9 =	sor.u32 $0xD0000000, s2;
	s6 =	simm.s32 $0x108;
	_ =	swait.ge @!p0 [sflag:s8], $0x0  }
0x24: {  	s3 =	sadd.s32 $0x88, s3;
	s6 =	simm.s32 @!p1 $0x1082;
	[sflag:s4] =	ssyncset.s32 $0xFFFFF086  }
0x25: {  	[simem:s6], [sflag:s4] =	dma.local [hbm:s3], $0xF7A  }
0x26: {  	[smem:$0x3F99] =	sst s1;
	(tag) =	ssettag s2;
	_ =	strace s9  }
0x27: {  	s1 =	sld [smem:$0x3FA9]  }
0x28: {  	s2 =	sld [smem:$0x3FAA]  }
0x29: {  	s4 =	sld [smem:$0x3FAC]  }
0x2a: {  	p0 =	seq.s32 s5, $0x0;
	s5 =	sld [smem:$0x3FAD]  }
0x2b: {  	s6 =	sld [smem:$0x3FAE]  }
0x2c: {  	s7 =	sld [smem:$0x3FAF]  }
0x2d: {  	s3 =	simm.s32 $0x108;
	s8 =	sld [smem:$0x3FB0]  }
0x2e: {  	s3 =	simm.s32 @!p0 $0x1082;
	s9 =	sld [smem:$0x3FB1]  }
0x2f: {  	lr =	sadd.s32 s0, s3;
	s0 =	sld [smem:$0x3FA8]  }
0x30: {  	s3 =	sld [smem:$0x3FAB]  }
0x31: {  	[smem:$0x3FB4] =	sst s10  }
0x32: {  	s10 =	sld [smem:$0x3FB2];
	_ =	sdelay $0x3  }
0x33: {  	p0 =	seq.s32 s10, $0x1;
	s10 =	sld [smem:$0x3FB4];
	_ =	sdelay $0x3  }
0x34: {  	[smem:$0x3FB4] =	sst s10  }
0x35: {  	s10 =	sld [smem:$0x3FB3];
	_ =	sdelay $0x3  }
0x36: {  	p1 =	seq.s32 s10, $0x1;
	s10 =	sld [smem:$0x3FB4];
	_ =	sdelay $0x3  }
0x37: {  	[smem:$0x3FB4] =	sst s10  }
0x38: {  	s10 =	sld [smem:$0x3FB5]  }
0x39: {  	_ = 	snop;
	(pc) =	sbr.ind lr, $3  }
0x3a: {  	_ = 	snop  }
0x3b: {  	_ = 	snop  }
0x3c: {  	p2 =	seq.s32 s10, $0x1;
	s10 =	sld [smem:$0x3FB4]  }
0x3d: {  	_ =	shalt  }
0x3e: {  	_ =	shalt  }
0x3f: {  	_ =	shalt  }
0x40: {  	_ =	shalt  }
0x41: {  	_ =	shalt  }
0x42: {  	_ =	shalt  }
0x43: {  	_ =	shalt  }
0x44: {  	_ =	shalt  }
0x45: {  	_ =	shalt  }
0x46: {  	_ =	shalt  }
0x47: {  	_ =	shalt  }
0x48: {  	_ =	shalt  }
0x49: {  	_ =	shalt  }
0x4a: {  	_ =	shalt  }
0x4b: {  	_ =	shalt  }
0x4c: {  	_ =	shalt  }
0x4d: {  	_ =	shalt  }
0x4e: {  	_ =	shalt  }
0x4f: {  	_ =	shalt  }
0x50: {  	_ =	shalt  }
0x51: {  	_ =	shalt  }
0x52: {  	_ =	shalt  }
0x53: {  	_ =	shalt  }
0x54: {  	_ =	shalt  }
0x55: {  	_ =	shalt  }
0x56: {  	_ =	shalt  }
0x57: {  	_ =	shalt  }
0x58: {  	_ =	shalt  }
0x59: {  	_ =	shalt  }
0x5a: {  	_ =	shalt  }
0x5b: {  	_ =	shalt  }
0x5c: {  	_ =	shalt  }
0x5d: {  	_ =	shalt  }
0x5e: {  	_ =	shalt  }
0x5f: {  	_ =	shalt  }
0x60: {  	_ =	shalt  }
0x61: {  	_ =	shalt  }
0x62: {  	_ =	shalt  }
0x63: {  	_ =	shalt  }
0x64: {  	_ =	shalt  }
0x65: {  	_ =	shalt  }
0x66: {  	_ =	shalt  }
0x67: {  	_ =	shalt  }
0x68: {  	_ =	shalt  }
0x69: {  	_ =	shalt  }
0x6a: {  	_ =	shalt  }
0x6b: {  	_ =	shalt  }
0x6c: {  	_ =	shalt  }
0x6d: {  	_ =	shalt  }
0x6e: {  	_ =	shalt  }
0x6f: {  	_ =	shalt  }
0x70: {  	_ =	shalt  }
0x71: {  	_ =	shalt  }
0x72: {  	_ =	shalt  }
0x73: {  	_ =	shalt  }
0x74: {  	_ =	shalt  }
0x75: {  	_ =	shalt  }
0x76: {  	_ =	shalt  }
0x77: {  	_ =	shalt  }
0x78: {  	_ =	shalt  }
0x79: {  	_ =	shalt  }
0x7a: {  	_ =	shalt  }
0x7b: {  	_ =	shalt  }
0x7c: {  	_ =	shalt  }
0x7d: {  	_ =	shalt  }
0x7e: {  	_ =	shalt  }
0x7f: {  	_ =	shalt  }
0x80: {  	_ =	shalt  }
0x81: {  	_ =	shalt  }
0x82: {  	_ =	shalt  }
0x83: {  	_ =	shalt  }
0x84: {  	_ =	shalt  }
0x85: {  	_ =	shalt  }
0x86: {  	_ =	shalt  }
0x87: {  	_ =	shalt  }
.Lfunc_end0:
.L_simem_size_0:
called_computation.1_lowered:
.L_overlay_start_0:
0x88: {  	s2 =	sld [smem:$0x3FD9]  }
0x89: {  	s3 =	sld [smem:$0x3FFE];
	_ =	sdelay $0x1  }
0x8a: {  	s1 =	srdreg.scid  }
0x8b: {  	s0 =	sand.u32 $0x1, s1  }
0x8c: {  	s16 =	sshll.u32 s0, $0xA;
	s2 =	sadd.s32 s3, s2  }
0x8d: {  	s2 =	sadd.s32 s2, s16  }
0x8e: {  	[smem:$0x3FC0] =	sst s2  }
0x8f: {  	_ = 	snop  }
0x90: {  	(tm) =	ssettm $0x1  }
0x91: {  	s17 =	sld [smem:$0x3FFB];
	_ =	sdelay $0x3  }
0x92: {  	_ =	strace s17  }
0x93: {  	s2 =	sld [smem:$0x3FFC];
	_ =	sdelay $0x3  }
0x94: {  	_ =	strace s2  }
0x95: {  	s2 =	sld [smem:$0x3FFD];
	_ =	sdelay $0x3  }
0x96: {  	_ =	strace s2  }
0x97: {  	_ =	strace $0x8FFFFFFF  }
0x98: {  	s18 =	sld [smem:$0x3FDB];
	_ =	sdelay $0x1  }
0x99: {  	s19 =	simm.s32 $_scs_section_size  }
0x9a: {  	s4 =	simm.s32 $_size__tile_overlayer_lowered;
	s5 =	simm.s32 $_tile_overlayer_lowered  }
0x9b: {  	s22 =	simm.s32 $0x1BFF;
	s21 =	sshll.u32 s5, $0x1;
	s2 =	sadd.s32 s19, s18  }
0x9c: {  	s6 =	simm.s32 $0x0;
	s20 =	sshll.u32 s4, $0x1;
	s4 =	sadd.s32 s21, s2  }
0x9d: {  	[timem:s6], [sflag:s22] =	dma.local [hbm:s4], s20  }
0x9e: {  	_ =	swait.ge [sflag:s22], s20  }
0x9f: {  	s3 =	ssub.s32 $0x0, s20;
	[sflag:s22] =	ssyncset.done $0x0  }
0xa0: {  	[sflag:s22] =	ssyncadd.s32 s3;
	_ =	sdelay $0x1  }
0xa1: {  	s23 =	simm.s32 $0x1B8B  }
0xa2: {  	_ =	swait.ge [sflag:s23], $0x1  }
0xa3: {  	[sflag:s23] =	ssyncset.done $0x0  }
0xa4: {  	s25 =	simm.s32 $0x1B8E;
	s24 =	sld [smem:$0x3FFE];
	[sflag:s23] =	ssyncadd.s32 $0xFFFFFFFF  }
0xa5: {  	s26 =	simm.s32 $execute0_lowered;
	[smem:$0x3FD2] =	sst s25  }
0xa6: {  	s4 =	sshll.u32 s26, $0x1;
	_ =	strace $0x80000046;
	[dreg:$0x1] =	wrdreg $0xFFFFFFFF  }
0xa7: {  	s28 =	simm.s32 $_size_execute0_lowered;
	s2 =	sadd.s32 s2, s4;
	[dreg:$0x0] =	wrdreg $0x0  }
0xa8: {  	s4 =	sshll.u32 s28, $0x1;
	[dreg:$0x2] =	wrdreg s2  }
0xa9: {  	[dreg:$0x3] =	wrdreg s4  }
0xaa: {  	[dreg:$0x4] =	wrdreg $0xC0  }
0xab: {  	_ =	task [dreg:s6], $0x5FFFF  }
0xac: {  	[dreg:$0x1] =	wrdreg $0xFFFFFFFF  }
0xad: {  	[dreg:$0x0] =	wrdreg $0x60  }
0xae: {  	[dreg:$0x2] =	wrdreg s24  }
0xaf: {  	[dreg:$0x3] =	wrdreg $0x0  }
0xb0: {  	[dreg:$0x4] =	wrdreg $0xA  }
0xb1: {  	_ =	task.clear_ibuf [dreg:s6], $0x5FFFF;
	_ =	strace $0x90000046  }
0xb2: {  	s29 =	simm.s32 $0xA;
	_ =	strace $0x80000048  }
0xb3: {  	_ =	swait.ge [sflag:s29], $0x1  }
0xb4: {  	[sflag:s29] =	ssyncadd.s32 $0xFFFFFFFF  }
0xb5: {  	_ =	strace $0x90000048  }
0xb6: {  	_ =	sfence  }
0xb7: {  	s30 =	sld [smem:$0x0];
	_ =	sdelay $0x2  }
0xb8: {  	s31 =	sshll.u32 s1, $0xD;
	s1 =	sshrl.u32 s1, $0x2  }
0xb9: {  	s3 =	sand.u32 $0x4000, s31;
	s1 =	sadd.s32 s1, s30  }
0xba: {  	s0 =	sor.u32 s3, s0;
	s1 =	sshll.u32 s1, $0x11  }
0xbb: {  	s0 =	sor.u32 s1, s0  }
0xbc: {  	s0 =	sadd.s32 $0x8F2B, s0  }
0xbd: {  	[sflag:s0] =	ssyncadd.remote.s32 $0x1  }
0xbe: {  	_ =	sfence.sel $0xFFFF  }
0xbf: {  	[dreg:$0x0] =	wrdreg $0xFFFFFFFF;
	(pc) =	sbr.abs _section_cstart, $3  }
0xc0: {  	[dreg:$0x1] =	wrdreg $0xFFFFFFFF  }
0xc1: {  	_ =	task.clear_ibuf [dreg:s6], $0x2FFFF;
	_ =	strace $0x9FFFFFFF  }
0xc2: {  	(tm) =	ssettm $0x7FFFFFFF  }
0xc3: {  	_ =	shalt  }
tec
execute0_lowered:
.L_overlay_start_1:
0x0: {  	(tag) =	ssettag $0x1  }
0x1: {  	s0 =	rddreg [dreg:$0x0]  }
0x2: {  	s1 =	rddreg [dreg:$0x1];
	s2 =	srdreg.scid;
	s3 =	simm.s32 $0x0  }
0x3: {  	s10 =	stileid.u32;
	s31 =	simm.s32 $0x18100;
	s12 =	simm.s32 $0x0  }
0x4: {  	s2 =	sand.u32 $0x1, s2;
	[smem:$0x7FF] =	sst s3;
	s8 =	smul.u32 $0x14000, s10  }
0x5: {  	s4 =	sadd.s32 $0x2600, s0;
	s5 =	sadd.s32 $0x34600, s0;
	s9 =	smul.u32 $0x50000, s10  }
0x6: {  	s6 =	sadd.s32 $0x2A600, s0;
	s10 =	sshll.u32 s10, $0x1;
	s7 =	smul.u32 $0x140000, s2  }
0x7: {  	_ =	strace $0x80000047;
	s17 =	ssub.s32 $0x2, s2;
	s2 =	sor.u32 s2, s10  }
0x8: {  	s10 =	simm.s32 $0x80;
	s18 =	sshrl.u32 s17, $0x1;
	s19 =	sshrl.u32 s9, $0x2  }
0x9: {  	s9 =	simm.s32 $0x14080;
	s7 =	sadd.s32 s8, s7;
	s11 =	ssub.s32 s17, s18  }
0xa: {  	s8 =	smul.u32 $0x2800, s2;
	s2 =	simm.s32 $0x14000;
	s7 =	sshrl.u32 s7, $0x3  }
0xb: {  	s20 =	smax.u32 s11, $0x1;
	s11 =	simm.s32 $0x14100;
	s0 =	sadd.s32 s7, s0  }
0xc: {  	s7 =	sadd.s32 s19, s1;
	[dreg:$0x4] =	wrdreg s20;
	s0 =	sadd.s32 $0x3E600, s0  }
0xd: {  	s21 =	sadd.s32 $0x1000, s7;
	s22 =	sadd.s32 $0x2000, s7;
	[dreg:$0x3] =	wrdreg s0  }
0xe: {  	s23 =	sadd.s32 $0x3000, s7;
	s24 =	sadd.s32 $0x4000, s7;
	[dreg:$0x5] =	wrdreg s21  }
0xf: {  	s25 =	sadd.s32 $0x5000, s7;
	s26 =	sadd.s32 $0x6000, s7;
	[dreg:$0x6] =	wrdreg s22  }
0x10: {  	s17 =	sadd.s32 $0x7000, s7;
	s18 =	sadd.s32 $0x8000, s7;
	[dreg:$0x7] =	wrdreg s23  }
0x11: {  	s19 =	sadd.s32 $0x9000, s7;
	s20 =	sadd.s32 $0xA000, s7;
	[dreg:$0x8] =	wrdreg s24  }
0x12: {  	s28 =	sadd.s32 $0x11000, s7;
	s29 =	sadd.s32 $0x12000, s7;
	[dreg:$0x9] =	wrdreg s25  }
0x13: {  	s30 =	sadd.s32 $0x13000, s7;
	[dreg:$0xa] =	wrdreg s26;
	s21 =	sadd.s32 $0xB000, s7  }
0x14: {  	s22 =	sadd.s32 $0xC000, s7;
	s23 =	sadd.s32 $0xD000, s7;
	s24 =	sadd.s32 $0xE000, s7  }
0x15: {  	v0 =	vimm.f32 $0.0e+00;
	s25 =	sadd.s32 $0xF000, s7;
	s26 =	sadd.s32 $0x10000, s7;
	s0 =	simm.s32 $0x1  }
.LBB2_1:
0x16: {  	s13 =	simm.s32 $0x0;
	s14 =	simm.s32 $0x200  }
.LBB2_2:
0x17: {  	p0 =	sne.s32 s14, $0x3E00;
	[tilespmem:s13+$0x18170] =	vst v0  }
0x18: {  	[tilespmem:s13+$0x18100] =	vst v0  }
0x19: {  	[tilespmem:s13+$0x18110] =	vst v0  }
.Ltmp0:
0x1a: {  	[tilespmem:s13+$0x18120] =	vst v0;
	(pc) =	sbr.rel @p0 .LBB2_2-.Ltmp0, $4  }
0x1b: {  	[tilespmem:s13+$0x18130] =	vst v0  }
0x1c: {  	[tilespmem:s13+$0x18140] =	vst v0  }
0x1d: {  	[tilespmem:s13+$0x18150] =	vst v0  }
0x1e: {  	[tilespmem:s13+$0x18160] =	vst v0;
	s13 =	sshra.s32 s14, $0x2;
	s14 =	sadd.s32 $0x200, s14  }
0x1f: {  	[tilespmem:s13+$0x18170] =	vst v0  }
0x20: {  	[tilespmem:s13+$0x18100] =	vst v0  }
0x21: {  	[tilespmem:s13+$0x18110] =	vst v0  }
0x22: {  	[tilespmem:s13+$0x18120] =	vst v0  }
0x23: {  	[tilespmem:s13+$0x18130] =	vst v0  }
0x24: {  	[tilespmem:s13+$0x18140] =	vst v0  }
0x25: {  	[tilespmem:s13+$0x18150] =	vst v0  }
0x26: {  	[tilespmem:s13+$0x18160] =	vst v0  }
0x27: {  	[spmem:s7] =	stream.linear.scatter [tilespmem:s31], [sflag:$0x1], $0x1000, $0x38;
	[tilespmem:$0x19100] =	vst v63  }
0x28: {  	_ =	swait.ge [sflag:s0], $0x1000  }
0x29: {  	[sflag:s0] =	ssyncset.done $0x0  }
0x2a: {  	s15 =	rddreg [dreg:$0x5];
	[sflag:s0] =	ssyncadd.s32 $0xFFFFF000  }
0x2b: {  	[spmem:s15] =	stream.linear.scatter [tilespmem:s31], [sflag:$0x1], $0x1000, $0x38;
	[tilespmem:$0x19100] =	vst v63  }
0x2c: {  	_ =	swait.ge [sflag:s0], $0x1000  }
0x2d: {  	[sflag:s0] =	ssyncset.done $0x0  }
0x2e: {  	s16 =	rddreg [dreg:$0x6];
	[sflag:s0] =	ssyncadd.s32 $0xFFFFF000  }
0x2f: {  	[spmem:s16] =	stream.linear.scatter [tilespmem:s31], [sflag:$0x1], $0x1000, $0x38;
	[tilespmem:$0x19100] =	vst v63  }
0x30: {  	_ =	swait.ge [sflag:s0], $0x1000  }
0x31: {  	[sflag:s0] =	ssyncset.done $0x0  }
0x32: {  	s14 =	rddreg [dreg:$0x7];
	[sflag:s0] =	ssyncadd.s32 $0xFFFFF000  }
0x33: {  	[spmem:s14] =	stream.linear.scatter [tilespmem:s31], [sflag:$0x1], $0x1000, $0x38;
	[tilespmem:$0x19100] =	vst v63  }
0x34: {  	_ =	swait.ge [sflag:s0], $0x1000  }
0x35: {  	[sflag:s0] =	ssyncset.done $0x0  }
0x36: {  	s15 =	rddreg [dreg:$0x8];
	[sflag:s0] =	ssyncadd.s32 $0xFFFFF000  }
0x37: {  	[spmem:s15] =	stream.linear.scatter [tilespmem:s31], [sflag:$0x1], $0x1000, $0x38;
	[tilespmem:$0x19100] =	vst v63  }
0x38: {  	_ =	swait.ge [sflag:s0], $0x1000  }
0x39: {  	[sflag:s0] =	ssyncset.done $0x0  }
0x3a: {  	s16 =	rddreg [dreg:$0x9];
	[sflag:s0] =	ssyncadd.s32 $0xFFFFF000  }
0x3b: {  	[spmem:s16] =	stream.linear.scatter [tilespmem:s31], [sflag:$0x1], $0x1000, $0x38;
	[tilespmem:$0x19100] =	vst v63  }
0x3c: {  	_ =	swait.ge [sflag:s0], $0x1000  }
0x3d: {  	[sflag:s0] =	ssyncset.done $0x0  }
0x3e: {  	s14 =	rddreg [dreg:$0xa];
	[sflag:s0] =	ssyncadd.s32 $0xFFFFF000  }
0x3f: {  	[spmem:s14] =	stream.linear.scatter [tilespmem:s31], [sflag:$0x1], $0x1000, $0x38;
	[tilespmem:$0x19100] =	vst v63  }
0x40: {  	_ =	swait.ge [sflag:s0], $0x1000  }
0x41: {  	[sflag:s0] =	ssyncset.done $0x0  }
0x42: {  	[sflag:s0] =	ssyncadd.s32 $0xFFFFF000  }
0x43: {  	[spmem:s17] =	stream.linear.scatter [tilespmem:s31], [sflag:$0x1], $0x1000, $0x38;
	[tilespmem:$0x19100] =	vst v63  }
0x44: {  	_ =	swait.ge [sflag:s0], $0x1000  }
0x45: {  	[sflag:s0] =	ssyncset.done $0x0  }
0x46: {  	[sflag:s0] =	ssyncadd.s32 $0xFFFFF000  }
0x47: {  	[spmem:s18] =	stream.linear.scatter [tilespmem:s31], [sflag:$0x1], $0x1000, $0x38;
	[tilespmem:$0x19100] =	vst v63  }
0x48: {  	_ =	swait.ge [sflag:s0], $0x1000  }
0x49: {  	[sflag:s0] =	ssyncset.done $0x0  }
0x4a: {  	[sflag:s0] =	ssyncadd.s32 $0xFFFFF000  }
0x4b: {  	[spmem:s19] =	stream.linear.scatter [tilespmem:s31], [sflag:$0x1], $0x1000, $0x38;
	[tilespmem:$0x19100] =	vst v63  }
0x4c: {  	_ =	swait.ge [sflag:s0], $0x1000  }
0x4d: {  	[sflag:s0] =	ssyncset.done $0x0  }
0x4e: {  	[sflag:s0] =	ssyncadd.s32 $0xFFFFF000  }
0x4f: {  	[spmem:s20] =	stream.linear.scatter [tilespmem:s31], [sflag:$0x1], $0x1000, $0x38;
	[tilespmem:$0x19100] =	vst v63  }
0x50: {  	_ =	swait.ge [sflag:s0], $0x1000  }
0x51: {  	[sflag:s0] =	ssyncset.done $0x0  }
0x52: {  	[sflag:s0] =	ssyncadd.s32 $0xFFFFF000  }
0x53: {  	[spmem:s21] =	stream.linear.scatter [tilespmem:s31], [sflag:$0x1], $0x1000, $0x38;
	[tilespmem:$0x19100] =	vst v63  }
0x54: {  	_ =	swait.ge [sflag:s0], $0x1000  }
0x55: {  	[sflag:s0] =	ssyncset.done $0x0  }
0x56: {  	[sflag:s0] =	ssyncadd.s32 $0xFFFFF000  }
0x57: {  	[spmem:s22] =	stream.linear.scatter [tilespmem:s31], [sflag:$0x1], $0x1000, $0x38;
	[tilespmem:$0x19100] =	vst v63  }
0x58: {  	_ =	swait.ge [sflag:s0], $0x1000  }
0x59: {  	[sflag:s0] =	ssyncset.done $0x0  }
0x5a: {  	[sflag:s0] =	ssyncadd.s32 $0xFFFFF000  }
0x5b: {  	[spmem:s23] =	stream.linear.scatter [tilespmem:s31], [sflag:$0x1], $0x1000, $0x38;
	[tilespmem:$0x19100] =	vst v63  }
0x5c: {  	_ =	swait.ge [sflag:s0], $0x1000  }
0x5d: {  	[sflag:s0] =	ssyncset.done $0x0  }
0x5e: {  	[sflag:s0] =	ssyncadd.s32 $0xFFFFF000  }
0x5f: {  	[spmem:s24] =	stream.linear.scatter [tilespmem:s31], [sflag:$0x1], $0x1000, $0x38;
	[tilespmem:$0x19100] =	vst v63  }
0x60: {  	_ =	swait.ge [sflag:s0], $0x1000  }
0x61: {  	[sflag:s0] =	ssyncset.done $0x0  }
0x62: {  	[sflag:s0] =	ssyncadd.s32 $0xFFFFF000  }
0x63: {  	[spmem:s25] =	stream.linear.scatter [tilespmem:s31], [sflag:$0x1], $0x1000, $0x38;
	[tilespmem:$0x19100] =	vst v63  }
0x64: {  	_ =	swait.ge [sflag:s0], $0x1000  }
0x65: {  	[sflag:s0] =	ssyncset.done $0x0  }
0x66: {  	[sflag:s0] =	ssyncadd.s32 $0xFFFFF000  }
0x67: {  	[spmem:s26] =	stream.linear.scatter [tilespmem:s31], [sflag:$0x1], $0x1000, $0x38;
	[tilespmem:$0x19100] =	vst v63  }
0x68: {  	_ =	swait.ge [sflag:s0], $0x1000  }
0x69: {  	[sflag:s0] =	ssyncset.done $0x0  }
0x6a: {  	[sflag:s0] =	ssyncadd.s32 $0xFFFFF000  }
0x6b: {  	[spmem:s28] =	stream.linear.scatter [tilespmem:s31], [sflag:$0x1], $0x1000, $0x38;
	[tilespmem:$0x19100] =	vst v63  }
0x6c: {  	_ =	swait.ge [sflag:s0], $0x1000  }
0x6d: {  	[sflag:s0] =	ssyncset.done $0x0  }
0x6e: {  	[sflag:s0] =	ssyncadd.s32 $0xFFFFF000  }
0x6f: {  	[spmem:s29] =	stream.linear.scatter [tilespmem:s31], [sflag:$0x1], $0x1000, $0x38;
	[tilespmem:$0x19100] =	vst v63  }
0x70: {  	_ =	swait.ge [sflag:s0], $0x1000  }
0x71: {  	s15 =	simm.s32 $0x0;
	[sflag:s0] =	ssyncset.done $0x0  }
0x72: {  	s14 =	sand.u32 $0x3C00, s15;
	[sflag:s0] =	ssyncadd.s32 $0xFFFFF000  }
0x73: {  	[spmem:s30] =	stream.linear.scatter [tilespmem:s31], [sflag:$0x1], $0x1000, $0x38;
	[tilespmem:$0x19100] =	vst v63  }
0x74: {  	s13 =	sand.u32 $0x380, s15;
	s14 =	sadd.s32 s8, s14;
	_ =	swait.ge [sflag:s0], $0x1000  }
0x75: {  	s13 =	sor.u32 s13, s14;
	[sflag:s0] =	ssyncset.done $0x0  }
0x76: {  	s13 =	sshrl.u32 s13, $0x3;
	[sflag:s0] =	ssyncadd.s32 $0xFFFFF000  }
0x77: {  	s16 =	sadd.s32 s5, s13;
	[bflag:$0x0] =	sbarrier.arrive $0xFFFF  }
0x78: {  	[tilespmem:s2], [sflag:$0x1] =	stream.linear.gather [hbm4b:s16+s3], $0x80, $0x38;
	[tilespmem:$0x19100] =	vst v63  }
0x79: {  	_ =	swait.ge [sflag:s0], $0x80  }
0x7a: {  	[sflag:s0] =	ssyncset.done $0x0  }
0x7b: {  	s13 =	sadd.s32 s6, s13;
	[sflag:s0] =	ssyncadd.s32 $0xFFFFFF80  }
0x7c: {  	[tilespmem:s9], [sflag:$0x1] =	stream.linear.gather [hbm4b:s13+s3], $0x80, $0x38;
	[tilespmem:$0x19100] =	vst v63  }
0x7d: {  	_ =	swait.ge [sflag:s0], $0x80  }
0x7e: {  	[sflag:s0] =	ssyncset.done $0x0  }
0x7f: {  	[sflag:s0] =	ssyncadd.s32 $0xFFFFFF80  }
0x80: {  	[tilespmem:s11], [sflag:$0x1] =	stream.indirect.gather [hbm4b:s4+s10], $0x80, s2, s10, $0xb8;
	[tilespmem:$0x19100] =	vst v63  }
0x81: {  	_ =	swait.ge [sflag:s0], $0x4000  }
0x82: {  	s15 =	simm.s32 $0x80;
	[sflag:s0] =	ssyncset.done $0x0  }
0x83: {  	s16 =	sand.u32 $0x3C00, s15;
	[sflag:s0] =	ssyncadd.s32 $0xFFFFC000  }
0x84: {  	[spmem:s1] =	stream.indirect.scatter.add.f32 [tilespmem:s11], [sflag:$0x1], $0x80, s9, s10, $0xb8;
	[tilespmem:$0x19100] =	vst v63  }
0x85: {  	s14 =	sadd.s32 s8, s16;
	s13 =	sand.u32 $0x380, s15;
	_ =	swait.ge [sflag:s0], $0x4000  }
0x86: {  	s14 =	sor.u32 s13, s14;
	s13 =	simm.s32 $0x100;
	[sflag:s0] =	ssyncset.done $0x0  }
.LBB2_4:
0x87: {  	s14 =	sshrl.u32 s14, $0x3  }
0x88: {  	[sflag:s0] =	ssyncadd.s32 $0xFFFFC000;
	s15 =	smov.u32 s13;
	s16 =	sadd.s32 $0x80, s13  }
0x89: {  	p0 =	sne.s32 s13, $0x2780;
	s13 =	sadd.s32 s5, s14  }
0x8a: {  	[tilespmem:s2], [sflag:$0x1] =	stream.linear.gather [hbm4b:s13+s3], $0x80, $0x38;
	[tilespmem:$0x19100] =	vst v63  }
0x8b: {  	_ =	swait.ge [sflag:s0], $0x80  }
0x8c: {  	[sflag:s0] =	ssyncset.done $0x0  }
0x8d: {  	s13 =	sadd.s32 s6, s14;
	[sflag:s0] =	ssyncadd.s32 $0xFFFFFF80  }
0x8e: {  	[tilespmem:s9], [sflag:$0x1] =	stream.linear.gather [hbm4b:s13+s3], $0x80, $0x38;
	[tilespmem:$0x19100] =	vst v63  }
0x8f: {  	_ =	swait.ge [sflag:s0], $0x80  }
0x90: {  	[sflag:s0] =	ssyncset.done $0x0  }
0x91: {  	[sflag:s0] =	ssyncadd.s32 $0xFFFFFF80  }
0x92: {  	[tilespmem:s11], [sflag:$0x1] =	stream.indirect.gather [hbm4b:s4+s10], $0x80, s2, s10, $0xb8;
	[tilespmem:$0x19100] =	vst v63  }
0x93: {  	_ =	swait.ge [sflag:s0], $0x4000  }
.Ltmp1:
0x94: {  	[sflag:s0] =	ssyncset.done $0x0;
	(pc) =	sbr.rel @p0 .LBB2_4-.Ltmp1, $4  }
0x95: {  	s13 =	sand.u32 $0x3C00, s15;
	[sflag:s0] =	ssyncadd.s32 $0xFFFFC000  }
0x96: {  	[spmem:s1] =	stream.indirect.scatter.add.f32 [tilespmem:s11], [sflag:$0x1], $0x80, s9, s10, $0xb8;
	[tilespmem:$0x19100] =	vst v63  }
0x97: {  	s14 =	sand.u32 $0x380, s15;
	s13 =	sadd.s32 s8, s13;
	_ =	swait.ge [sflag:s0], $0x4000  }
0x98: {  	s14 =	sor.u32 s14, s13;
	s13 =	smov.u32 s16;
	[sflag:s0] =	ssyncset.done $0x0  }
0x99: {  	s13 =	sshrl.u32 s14, $0x3  }
0x9a: {  	[sflag:s0] =	ssyncadd.s32 $0xFFFFC000;
	s14 =	sadd.s32 s5, s13  }
0x9b: {  	[tilespmem:s2], [sflag:$0x1] =	stream.linear.gather [hbm4b:s14+s3], $0x80, $0x38;
	[tilespmem:$0x19100] =	vst v63  }
0x9c: {  	_ =	swait.ge [sflag:s0], $0x80  }
0x9d: {  	[sflag:s0] =	ssyncset.done $0x0  }
0x9e: {  	s13 =	sadd.s32 s6, s13;
	[sflag:s0] =	ssyncadd.s32 $0xFFFFFF80  }
0x9f: {  	[tilespmem:s9], [sflag:$0x1] =	stream.linear.gather [hbm4b:s13+s3], $0x80, $0x38;
	[tilespmem:$0x19100] =	vst v63  }
0xa0: {  	_ =	swait.ge [sflag:s0], $0x80  }
0xa1: {  	[sflag:s0] =	ssyncset.done $0x0  }
0xa2: {  	[sflag:s0] =	ssyncadd.s32 $0xFFFFFF80  }
0xa3: {  	[tilespmem:s11], [sflag:$0x1] =	stream.indirect.gather [hbm4b:s4+s10], $0x80, s2, s10, $0xb8;
	[tilespmem:$0x19100] =	vst v63  }
0xa4: {  	_ =	swait.ge [sflag:s0], $0x4000  }
0xa5: {  	[sflag:s0] =	ssyncset.done $0x0  }
0xa6: {  	[sflag:s0] =	ssyncadd.s32 $0xFFFFC000  }
0xa7: {  	[spmem:s1] =	stream.indirect.scatter.add.f32 [tilespmem:s11], [sflag:$0x1], $0x80, s9, s10, $0xb8;
	[tilespmem:$0x19100] =	vst v63  }
0xa8: {  	_ =	swait.ge [sflag:s0], $0x4000  }
0xa9: {  	[sflag:s0] =	ssyncset.done $0x0  }
0xaa: {  	s15 =	stileid.u32;
	[sflag:s0] =	ssyncadd.s32 $0xFFFFC000  }
0xab: {  	s13 =	sshll.u32 s15, $0x6;
	[bflag:$0x0] =	sbarrier.arrive $0xFFFF  }
0xac: {  	s16 =	sshrl.u32 s7, $0x3;
	s13 =	sor.u32 $0x1C01, s13;
	s15 =	rddreg [dreg:$0x3]  }
0xad: {  	[hbm:s15], [sflag:s13] =	dma.local [spmem:s16], $0x2800  }
0xae: {  	_ =	swait.ge [sflag:s0], $0x2800  }
0xaf: {  	s12 =	sadd.s32 $0x1, s12;
	s16 =	rddreg [dreg:$0x4]  }
0xb0: {  	p0 =	sne.s32 s12, s16  }
.Ltmp2:
0xb1: {  	_ = 	snop;
	(pc) =	sbr.rel @p0 .LBB2_1-.Ltmp2, $3  }
0xb2: {  	_ =	sdelay $0x1  }
0xb3: {  	[sflag:s0] =	ssyncset.done $0x0  }
0xb4: {  	[sflag:s0] =	ssyncadd.s32 $0xFFFFD800  }
0xb5: {  	_ =	sfence.sel $0x180000  }
0xb6: {  	[bflag:$0x0] =	sbarrier.arrive $0xFFFF  }
0xb7: {  	_ =	strace $0x90000047  }
0xb8: {  	s0 =	stileid.u32;
	[bflag:$0x2] =	sbarrier.arrive $0xFFFF  }
0xb9: {  	p0 =	sne.s32 s0, $0x0;
	s0 =	rddreg [dreg:$0x2]  }
0xba: {  	s0 =	sadd.s32 @!p0 $0x100000, s0  }
0xbb: {  	[sflag:s0] =	ssyncadd.tile.s32 @!p0 $0x1;
	_ =	shalt  }
.Lfunc_end2:
_tile_overlayer_lowered:
.L_overlay_start_2:
0xbc: {  	(tag) =	ssettag $0x2  }
0xbd: {  	s0 =	rddreg [dreg:$0x0];
	s2 =	stileid.u32  }
0xbe: {  	s1 =	rddreg [dreg:$0x1];
	p0 =	sne.s32 s2, $0x0  }
0xbf: {  	s3 =	rddreg [dreg:$0x2];
	[bflag:$0x3] =	sbarrier.arrive $0xFFFF;
	s2 =	simm.s32 @!p0 $0x1C01  }
0xc0: {  	[timem:s3], [sflag:s2] =	dma.local @!p0 [hbm:s0], s1  }
0xc1: {  	s0 =	simm.s32 @!p0 $0x1  }
0xc2: {  	_ =	swait.ge @!p0 [sflag:s0], s1  }
0xc3: {  	s1 =	ssub.s32 @!p0 $0x0, s1;
	[sflag:s0] =	ssyncset.done @!p0 $0x0  }
0xc4: {  	[sflag:s0] =	ssyncadd.s32 @!p0 s1  }
0xc5: {  	[bflag:$0x3] =	sbarrier.arrive $0xFFFF  }
0xc6: {  	_ =	shalt  }

// kernel: kernel.13.cloned.1.call-start
scs
__scs_entry_jumppad:
0x0: {  	(pc) =	sbr.rel $0x88, $3  }
0x1: {  	(tag) =	ssettag $0x0;
	lr =	simm.s32 $0x1  }
0x2: {  	[smem:$0x3F99] =	sst lr;
	_ =	strace $0xD0000000  }
0x3: {  	_ = 	snop  }
0x4: {  	_ = 	snop  }
0x5: {  	_ = 	snop  }
0x6: {  	_ = 	snop  }
0x7: {  	_ = 	snop  }
__scs_overlays_trampoline_lowered:
0x8: {  	[smem:$0x3FA8] =	sst s0  }
0x9: {  	[smem:$0x3FA9] =	sst s1  }
0xa: {  	[smem:$0x3FAA] =	sst s2  }
0xb: {  	[smem:$0x3FAB] =	sst s3  }
0xc: {  	[smem:$0x3FAC] =	sst s4  }
0xd: {  	[smem:$0x3FAD] =	sst s5  }
0xe: {  	[smem:$0x3FAE] =	sst s6  }
0xf: {  	[smem:$0x3FAF] =	sst s7  }
0x10: {  	[smem:$0x3FB0] =	sst s8  }
0x11: {  	[smem:$0x3FB1] =	sst s9;
	s0 =	simm.s32 @!p0 $0x0  }
0x12: {  	s1 =	sld [smem:$0x3F97];
	s0 =	simm.s32 @p0 $0x1  }
0x13: {  	[smem:$0x3FB2] =	sst s0;
	s0 =	simm.s32 @!p1 $0x0  }
0x14: {  	s2 =	sld [smem:$0x3F96];
	s0 =	simm.s32 @p1 $0x1  }
0x15: {  	[smem:$0x3FB3] =	sst s0;
	s0 =	simm.s32 @!p2 $0x0  }
0x16: {  	s3 =	sld [smem:$0x3FDB];
	s0 =	simm.s32 @p2 $0x1  }
0x17: {  	s4 =	simm.s32 $0x1BF5;
	[smem:$0x3FB5] =	sst s0  }
0x18: {  	s0 =	sld [smem:$0x3F98];
	_ =	swait.ge [sflag:s4], $0x0  }
0x19: {  	s7 =	sld [smem:$0x3F99]  }
0x1a: {  	s8 =	sadd.s32 $0xFFFFE003, lr  }
0x1b: {  	s9 =	sadd.s32 $0xFFFFFEF7, lr;
	s5 =	simm.s32 $0xFFFFFFFF;
	p2 =	slt.u32 s8, $0xFFFFF086  }
0x1c: {  	p1 =	slt.u32 s9, $0xF7A;
	s5 =	simm.s32 @!p2 $0x0  }
0x1d: {  	s5 =	simm.s32 @p1 $0x1;
	p0 =	seq.s32 s7, s2  }
0x1e: {  	s7 =	smul.u32 @!p0 $0xF7A, s2;
	p2 =	seq.s32 @!p0 s5, $0x0  }
0x1f: {  	s9 =	smul.u32 $0xF7A, s1;
	s8 =	simm.s32 @!p0 $0x1BF5;
	p2 =	por !p2, p0  }
0x20: {  	[sflag:s8] =	ssyncset.s32 @!p0 $0xFFFFF086;
	s6 =	sadd.s32 @!p0 s3, s7;
	s7 =	simm.s32 @!p0 $0x108  }
0x21: {  	s3 =	sadd.s32 s3, s9;
	s6 =	sadd.s32 @!p0 $0x88, s6;
	s7 =	simm.s32 @p2 $0x1082  }
0x22: {  	[simem:s7], [sflag:s8] =	dma.local @!p0 [hbm:s6], $0xF7A  }
0x23: {  	s9 =	sor.u32 $0xD0000000, s2;
	s6 =	simm.s32 $0x108;
	_ =	swait.ge @!p0 [sflag:s8], $0x0  }
0x24: {  	s3 =	sadd.s32 $0x88, s3;
	s6 =	simm.s32 @!p1 $0x1082;
	[sflag:s4] =	ssyncset.s32 $0xFFFFF086  }
0x25: {  	[simem:s6], [sflag:s4] =	dma.local [hbm:s3], $0xF7A  }
0x26: {  	[smem:$0x3F99] =	sst s1;
	(tag) =	ssettag s2;
	_ =	strace s9  }
0x27: {  	s1 =	sld [smem:$0x3FA9]  }
0x28: {  	s2 =	sld [smem:$0x3FAA]  }
0x29: {  	s4 =	sld [smem:$0x3FAC]  }
0x2a: {  	p0 =	seq.s32 s5, $0x0;
	s5 =	sld [smem:$0x3FAD]  }
0x2b: {  	s6 =	sld [smem:$0x3FAE]  }
0x2c: {  	s7 =	sld [smem:$0x3FAF]  }
0x2d: {  	s3 =	simm.s32 $0x108;
	s8 =	sld [smem:$0x3FB0]  }
0x2e: {  	s3 =	simm.s32 @!p0 $0x1082;
	s9 =	sld [smem:$0x3FB1]  }
0x2f: {  	lr =	sadd.s32 s0, s3;
	s0 =	sld [smem:$0x3FA8]  }
0x30: {  	s3 =	sld [smem:$0x3FAB]  }
0x31: {  	[smem:$0x3FB4] =	sst s10  }
0x32: {  	s10 =	sld [smem:$0x3FB2];
	_ =	sdelay $0x3  }
0x33: {  	p0 =	seq.s32 s10, $0x1;
	s10 =	sld [smem:$0x3FB4];
	_ =	sdelay $0x3  }
0x34: {  	[smem:$0x3FB4] =	sst s10  }
0x35: {  	s10 =	sld [smem:$0x3FB3];
	_ =	sdelay $0x3  }
0x36: {  	p1 =	seq.s32 s10, $0x1;
	s10 =	sld [smem:$0x3FB4];
	_ =	sdelay $0x3  }
0x37: {  	[smem:$0x3FB4] =	sst s10  }
0x38: {  	s10 =	sld [smem:$0x3FB5]  }
0x39: {  	_ = 	snop;
	(pc) =	sbr.ind lr, $3  }
0x3a: {  	_ = 	snop  }
0x3b: {  	_ = 	snop  }
0x3c: {  	p2 =	seq.s32 s10, $0x1;
	s10 =	sld [smem:$0x3FB4]  }
0x3d: {  	_ =	shalt  }
0x3e: {  	_ =	shalt  }
0x3f: {  	_ =	shalt  }
0x40: {  	_ =	shalt  }
0x41: {  	_ =	shalt  }
0x42: {  	_ =	shalt  }
0x43: {  	_ =	shalt  }
0x44: {  	_ =	shalt  }
0x45: {  	_ =	shalt  }
0x46: {  	_ =	shalt  }
0x47: {  	_ =	shalt  }
0x48: {  	_ =	shalt  }
0x49: {  	_ =	shalt  }
0x4a: {  	_ =	shalt  }
0x4b: {  	_ =	shalt  }
0x4c: {  	_ =	shalt  }
0x4d: {  	_ =	shalt  }
0x4e: {  	_ =	shalt  }
0x4f: {  	_ =	shalt  }
0x50: {  	_ =	shalt  }
0x51: {  	_ =	shalt  }
0x52: {  	_ =	shalt  }
0x53: {  	_ =	shalt  }
0x54: {  	_ =	shalt  }
0x55: {  	_ =	shalt  }
0x56: {  	_ =	shalt  }
0x57: {  	_ =	shalt  }
0x58: {  	_ =	shalt  }
0x59: {  	_ =	shalt  }
0x5a: {  	_ =	shalt  }
0x5b: {  	_ =	shalt  }
0x5c: {  	_ =	shalt  }
0x5d: {  	_ =	shalt  }
0x5e: {  	_ =	shalt  }
0x5f: {  	_ =	shalt  }
0x60: {  	_ =	shalt  }
0x61: {  	_ =	shalt  }
0x62: {  	_ =	shalt  }
0x63: {  	_ =	shalt  }
0x64: {  	_ =	shalt  }
0x65: {  	_ =	shalt  }
0x66: {  	_ =	shalt  }
0x67: {  	_ =	shalt  }
0x68: {  	_ =	shalt  }
0x69: {  	_ =	shalt  }
0x6a: {  	_ =	shalt  }
0x6b: {  	_ =	shalt  }
0x6c: {  	_ =	shalt  }
0x6d: {  	_ =	shalt  }
0x6e: {  	_ =	shalt  }
0x6f: {  	_ =	shalt  }
0x70: {  	_ =	shalt  }
0x71: {  	_ =	shalt  }
0x72: {  	_ =	shalt  }
0x73: {  	_ =	shalt  }
0x74: {  	_ =	shalt  }
0x75: {  	_ =	shalt  }
0x76: {  	_ =	shalt  }
0x77: {  	_ =	shalt  }
0x78: {  	_ =	shalt  }
0x79: {  	_ =	shalt  }
0x7a: {  	_ =	shalt  }
0x7b: {  	_ =	shalt  }
0x7c: {  	_ =	shalt  }
0x7d: {  	_ =	shalt  }
0x7e: {  	_ =	shalt  }
0x7f: {  	_ =	shalt  }
0x80: {  	_ =	shalt  }
0x81: {  	_ =	shalt  }
0x82: {  	_ =	shalt  }
0x83: {  	_ =	shalt  }
0x84: {  	_ =	shalt  }
0x85: {  	_ =	shalt  }
0x86: {  	_ =	shalt  }
0x87: {  	_ =	shalt  }
.Lfunc_end0:
.L_simem_size_0:
called_computation.2_lowered:
.L_overlay_start_0:
0x88: {  	s2 =	sld [smem:$0x3FD9]  }
0x89: {  	s3 =	sld [smem:$0x3FFE];
	_ =	sdelay $0x1  }
0x8a: {  	s1 =	srdreg.scid  }
0x8b: {  	s0 =	sand.u32 $0x1, s1  }
0x8c: {  	s16 =	sshll.u32 s0, $0xA;
	s2 =	sadd.s32 s3, s2  }
0x8d: {  	s2 =	sadd.s32 s2, s16  }
0x8e: {  	[smem:$0x3FC0] =	sst s2  }
0x8f: {  	_ = 	snop  }
0x90: {  	(tm) =	ssettm $0x1  }
0x91: {  	s17 =	sld [smem:$0x3FFB];
	_ =	sdelay $0x3  }
0x92: {  	_ =	strace s17  }
0x93: {  	s2 =	sld [smem:$0x3FFC];
	_ =	sdelay $0x3  }
0x94: {  	_ =	strace s2  }
0x95: {  	s2 =	sld [smem:$0x3FFD];
	_ =	sdelay $0x3  }
0x96: {  	_ =	strace s2  }
0x97: {  	_ =	strace $0x8FFFFFFF  }
0x98: {  	s18 =	sld [smem:$0x3FDB];
	_ =	sdelay $0x1  }
0x99: {  	s19 =	simm.s32 $_scs_section_size  }
0x9a: {  	s4 =	simm.s32 $_size__tile_overlayer_lowered;
	s5 =	simm.s32 $_tile_overlayer_lowered  }
0x9b: {  	s22 =	simm.s32 $0x1BFF;
	s21 =	sshll.u32 s5, $0x1;
	s2 =	sadd.s32 s19, s18  }
0x9c: {  	s6 =	simm.s32 $0x0;
	s20 =	sshll.u32 s4, $0x1;
	s4 =	sadd.s32 s21, s2  }
0x9d: {  	[timem:s6], [sflag:s22] =	dma.local [hbm:s4], s20  }
0x9e: {  	_ =	swait.ge [sflag:s22], s20  }
0x9f: {  	s3 =	ssub.s32 $0x0, s20;
	[sflag:s22] =	ssyncset.done $0x0  }
0xa0: {  	[sflag:s22] =	ssyncadd.s32 s3;
	_ =	sdelay $0x1  }
0xa1: {  	s23 =	simm.s32 $0x1B8B  }
0xa2: {  	_ =	swait.ge [sflag:s23], $0x1  }
0xa3: {  	[sflag:s23] =	ssyncset.done $0x0  }
0xa4: {  	s25 =	simm.s32 $0x1B8E;
	s24 =	sld [smem:$0x3FFE];
	[sflag:s23] =	ssyncadd.s32 $0xFFFFFFFF  }
0xa5: {  	s26 =	simm.s32 $execute0_lowered;
	[smem:$0x3FD2] =	sst s25  }
0xa6: {  	s4 =	sshll.u32 s26, $0x1;
	_ =	strace $0x8000004C;
	[dreg:$0x1] =	wrdreg $0xFFFFFFFF  }
0xa7: {  	s28 =	simm.s32 $_size_execute0_lowered;
	s2 =	sadd.s32 s2, s4;
	[dreg:$0x0] =	wrdreg $0x0  }
0xa8: {  	s4 =	sshll.u32 s28, $0x1;
	[dreg:$0x2] =	wrdreg s2  }
0xa9: {  	[dreg:$0x3] =	wrdreg s4  }
0xaa: {  	[dreg:$0x4] =	wrdreg $0xC0  }
0xab: {  	_ =	task [dreg:s6], $0x5FFFF  }
0xac: {  	[dreg:$0x1] =	wrdreg $0xFFFFFFFF  }
0xad: {  	[dreg:$0x0] =	wrdreg $0x60  }
0xae: {  	[dreg:$0x2] =	wrdreg s24  }
0xaf: {  	[dreg:$0x3] =	wrdreg $0x0  }
0xb0: {  	[dreg:$0x4] =	wrdreg $0x9  }
0xb1: {  	_ =	task.clear_ibuf [dreg:s6], $0x5FFFF;
	_ =	strace $0x9000004C  }
0xb2: {  	s29 =	simm.s32 $0x9;
	_ =	strace $0x8000004E  }
0xb3: {  	_ =	swait.ge [sflag:s29], $0x1  }
0xb4: {  	[sflag:s29] =	ssyncadd.s32 $0xFFFFFFFF  }
0xb5: {  	_ =	strace $0x9000004E  }
0xb6: {  	_ =	sfence  }
0xb7: {  	s30 =	sld [smem:$0x0];
	_ =	sdelay $0x2  }
0xb8: {  	s31 =	sshll.u32 s1, $0xD;
	s1 =	sshrl.u32 s1, $0x2  }
0xb9: {  	s3 =	sand.u32 $0x4000, s31;
	s1 =	sadd.s32 s1, s30  }
0xba: {  	s0 =	sor.u32 s3, s0;
	s1 =	sshll.u32 s1, $0x11  }
0xbb: {  	s0 =	sor.u32 s1, s0  }
0xbc: {  	s0 =	sadd.s32 $0x8F2B, s0  }
0xbd: {  	[sflag:s0] =	ssyncadd.remote.s32 $0x1  }
0xbe: {  	_ =	sfence.sel $0xFFFF  }
0xbf: {  	[dreg:$0x0] =	wrdreg $0xFFFFFFFF;
	(pc) =	sbr.abs _section_cstart, $3  }
0xc0: {  	[dreg:$0x1] =	wrdreg $0xFFFFFFFF  }
0xc1: {  	_ =	task.clear_ibuf [dreg:s6], $0x2FFFF;
	_ =	strace $0x9FFFFFFF  }
0xc2: {  	(tm) =	ssettm $0x7FFFFFFF  }
0xc3: {  	_ =	shalt  }
tec
execute0_lowered:
.L_overlay_start_1:
0x0: {  	(tag) =	ssettag $0x1  }
0x1: {  	s0 =	rddreg [dreg:$0x0]  }
0x2: {  	s1 =	rddreg [dreg:$0x1];
	s2 =	srdreg.scid;
	s3 =	simm.s32 $0x0  }
0x3: {  	s10 =	stileid.u32;
	s31 =	simm.s32 $0x18100;
	s12 =	simm.s32 $0x0  }
0x4: {  	s2 =	sand.u32 $0x1, s2;
	[smem:$0x7FF] =	sst s3;
	s8 =	smul.u32 $0x14000, s10  }
0x5: {  	s4 =	sadd.s32 $0x2600, s0;
	s5 =	sadd.s32 $0x34600, s0;
	s9 =	smul.u32 $0x50000, s10  }
0x6: {  	s6 =	sadd.s32 $0x2A600, s0;
	s10 =	sshll.u32 s10, $0x1;
	s7 =	smul.u32 $0x140000, s2  }
0x7: {  	_ =	strace $0x8000004D;
	s17 =	ssub.s32 $0x2, s2;
	s2 =	sor.u32 s2, s10  }
0x8: {  	s10 =	simm.s32 $0x80;
	s18 =	sshrl.u32 s17, $0x1;
	s19 =	sshrl.u32 s9, $0x2  }
0x9: {  	s9 =	simm.s32 $0x14080;
	s7 =	sadd.s32 s8, s7;
	s11 =	ssub.s32 s17, s18  }
0xa: {  	s8 =	smul.u32 $0x2800, s2;
	s2 =	simm.s32 $0x14000;
	s7 =	sshrl.u32 s7, $0x3  }
0xb: {  	s20 =	smax.u32 s11, $0x1;
	s11 =	simm.s32 $0x14100;
	s0 =	sadd.s32 s7, s0  }
0xc: {  	s7 =	sadd.s32 s19, s1;
	[dreg:$0x4] =	wrdreg s20;
	s0 =	sadd.s32 $0x3E600, s0  }
0xd: {  	s21 =	sadd.s32 $0x1000, s7;
	s22 =	sadd.s32 $0x2000, s7;
	[dreg:$0x3] =	wrdreg s0  }
0xe: {  	s23 =	sadd.s32 $0x3000, s7;
	s24 =	sadd.s32 $0x4000, s7;
	[dreg:$0x5] =	wrdreg s21  }
0xf: {  	s25 =	sadd.s32 $0x5000, s7;
	s26 =	sadd.s32 $0x6000, s7;
	[dreg:$0x6] =	wrdreg s22  }
0x10: {  	s17 =	sadd.s32 $0x7000, s7;
	s18 =	sadd.s32 $0x8000, s7;
	[dreg:$0x7] =	wrdreg s23  }
0x11: {  	s19 =	sadd.s32 $0x9000, s7;
	s20 =	sadd.s32 $0xA000, s7;
	[dreg:$0x8] =	wrdreg s24  }
0x12: {  	s28 =	sadd.s32 $0x11000, s7;
	s29 =	sadd.s32 $0x12000, s7;
	[dreg:$0x9] =	wrdreg s25  }
0x13: {  	s30 =	sadd.s32 $0x13000, s7;
	[dreg:$0xa] =	wrdreg s26;
	s21 =	sadd.s32 $0xB000, s7  }
0x14: {  	s22 =	sadd.s32 $0xC000, s7;
	s23 =	sadd.s32 $0xD000, s7;
	s24 =	sadd.s32 $0xE000, s7  }
0x15: {  	v0 =	vimm.f32 $0.0e+00;
	s25 =	sadd.s32 $0xF000, s7;
	s26 =	sadd.s32 $0x10000, s7;
	s0 =	simm.s32 $0x1  }
.LBB2_1:
0x16: {  	s13 =	simm.s32 $0x0;
	s14 =	simm.s32 $0x200  }
.LBB2_2:
0x17: {  	p0 =	sne.s32 s14, $0x3E00;
	[tilespmem:s13+$0x18170] =	vst v0  }
0x18: {  	[tilespmem:s13+$0x18100] =	vst v0  }
0x19: {  	[tilespmem:s13+$0x18110] =	vst v0  }
.Ltmp0:
0x1a: {  	[tilespmem:s13+$0x18120] =	vst v0;
	(pc) =	sbr.rel @p0 .LBB2_2-.Ltmp0, $4  }
0x1b: {  	[tilespmem:s13+$0x18130] =	vst v0  }
0x1c: {  	[tilespmem:s13+$0x18140] =	vst v0  }
0x1d: {  	[tilespmem:s13+$0x18150] =	vst v0  }
0x1e: {  	[tilespmem:s13+$0x18160] =	vst v0;
	s13 =	sshra.s32 s14, $0x2;
	s14 =	sadd.s32 $0x200, s14  }
0x1f: {  	[tilespmem:s13+$0x18170] =	vst v0  }
0x20: {  	[tilespmem:s13+$0x18100] =	vst v0  }
0x21: {  	[tilespmem:s13+$0x18110] =	vst v0  }
0x22: {  	[tilespmem:s13+$0x18120] =	vst v0  }
0x23: {  	[tilespmem:s13+$0x18130] =	vst v0  }
0x24: {  	[tilespmem:s13+$0x18140] =	vst v0  }
0x25: {  	[tilespmem:s13+$0x18150] =	vst v0  }
0x26: {  	[tilespmem:s13+$0x18160] =	vst v0  }
0x27: {  	[spmem:s7] =	stream.linear.scatter [tilespmem:s31], [sflag:$0x1], $0x1000, $0x38;
	[tilespmem:$0x19100] =	vst v63  }
0x28: {  	_ =	swait.ge [sflag:s0], $0x1000  }
0x29: {  	[sflag:s0] =	ssyncset.done $0x0  }
0x2a: {  	s15 =	rddreg [dreg:$0x5];
	[sflag:s0] =	ssyncadd.s32 $0xFFFFF000  }
0x2b: {  	[spmem:s15] =	stream.linear.scatter [tilespmem:s31], [sflag:$0x1], $0x1000, $0x38;
	[tilespmem:$0x19100] =	vst v63  }
0x2c: {  	_ =	swait.ge [sflag:s0], $0x1000  }
0x2d: {  	[sflag:s0] =	ssyncset.done $0x0  }
0x2e: {  	s16 =	rddreg [dreg:$0x6];
	[sflag:s0] =	ssyncadd.s32 $0xFFFFF000  }
0x2f: {  	[spmem:s16] =	stream.linear.scatter [tilespmem:s31], [sflag:$0x1], $0x1000, $0x38;
	[tilespmem:$0x19100] =	vst v63  }
0x30: {  	_ =	swait.ge [sflag:s0], $0x1000  }
0x31: {  	[sflag:s0] =	ssyncset.done $0x0  }
0x32: {  	s14 =	rddreg [dreg:$0x7];
	[sflag:s0] =	ssyncadd.s32 $0xFFFFF000  }
0x33: {  	[spmem:s14] =	stream.linear.scatter [tilespmem:s31], [sflag:$0x1], $0x1000, $0x38;
	[tilespmem:$0x19100] =	vst v63  }
0x34: {  	_ =	swait.ge [sflag:s0], $0x1000  }
0x35: {  	[sflag:s0] =	ssyncset.done $0x0  }
0x36: {  	s15 =	rddreg [dreg:$0x8];
	[sflag:s0] =	ssyncadd.s32 $0xFFFFF000  }
0x37: {  	[spmem:s15] =	stream.linear.scatter [tilespmem:s31], [sflag:$0x1], $0x1000, $0x38;
	[tilespmem:$0x19100] =	vst v63  }
0x38: {  	_ =	swait.ge [sflag:s0], $0x1000  }
0x39: {  	[sflag:s0] =	ssyncset.done $0x0  }
0x3a: {  	s16 =	rddreg [dreg:$0x9];
	[sflag:s0] =	ssyncadd.s32 $0xFFFFF000  }
0x3b: {  	[spmem:s16] =	stream.linear.scatter [tilespmem:s31], [sflag:$0x1], $0x1000, $0x38;
	[tilespmem:$0x19100] =	vst v63  }
0x3c: {  	_ =	swait.ge [sflag:s0], $0x1000  }
0x3d: {  	[sflag:s0] =	ssyncset.done $0x0  }
0x3e: {  	s14 =	rddreg [dreg:$0xa];
	[sflag:s0] =	ssyncadd.s32 $0xFFFFF000  }
0x3f: {  	[spmem:s14] =	stream.linear.scatter [tilespmem:s31], [sflag:$0x1], $0x1000, $0x38;
	[tilespmem:$0x19100] =	vst v63  }
0x40: {  	_ =	swait.ge [sflag:s0], $0x1000  }
0x41: {  	[sflag:s0] =	ssyncset.done $0x0  }
0x42: {  	[sflag:s0] =	ssyncadd.s32 $0xFFFFF000  }
0x43: {  	[spmem:s17] =	stream.linear.scatter [tilespmem:s31], [sflag:$0x1], $0x1000, $0x38;
	[tilespmem:$0x19100] =	vst v63  }
0x44: {  	_ =	swait.ge [sflag:s0], $0x1000  }
0x45: {  	[sflag:s0] =	ssyncset.done $0x0  }
0x46: {  	[sflag:s0] =	ssyncadd.s32 $0xFFFFF000  }
0x47: {  	[spmem:s18] =	stream.linear.scatter [tilespmem:s31], [sflag:$0x1], $0x1000, $0x38;
	[tilespmem:$0x19100] =	vst v63  }
0x48: {  	_ =	swait.ge [sflag:s0], $0x1000  }
0x49: {  	[sflag:s0] =	ssyncset.done $0x0  }
0x4a: {  	[sflag:s0] =	ssyncadd.s32 $0xFFFFF000  }
0x4b: {  	[spmem:s19] =	stream.linear.scatter [tilespmem:s31], [sflag:$0x1], $0x1000, $0x38;
	[tilespmem:$0x19100] =	vst v63  }
0x4c: {  	_ =	swait.ge [sflag:s0], $0x1000  }
0x4d: {  	[sflag:s0] =	ssyncset.done $0x0  }
0x4e: {  	[sflag:s0] =	ssyncadd.s32 $0xFFFFF000  }
0x4f: {  	[spmem:s20] =	stream.linear.scatter [tilespmem:s31], [sflag:$0x1], $0x1000, $0x38;
	[tilespmem:$0x19100] =	vst v63  }
0x50: {  	_ =	swait.ge [sflag:s0], $0x1000  }
0x51: {  	[sflag:s0] =	ssyncset.done $0x0  }
0x52: {  	[sflag:s0] =	ssyncadd.s32 $0xFFFFF000  }
0x53: {  	[spmem:s21] =	stream.linear.scatter [tilespmem:s31], [sflag:$0x1], $0x1000, $0x38;
	[tilespmem:$0x19100] =	vst v63  }
0x54: {  	_ =	swait.ge [sflag:s0], $0x1000  }
0x55: {  	[sflag:s0] =	ssyncset.done $0x0  }
0x56: {  	[sflag:s0] =	ssyncadd.s32 $0xFFFFF000  }
0x57: {  	[spmem:s22] =	stream.linear.scatter [tilespmem:s31], [sflag:$0x1], $0x1000, $0x38;
	[tilespmem:$0x19100] =	vst v63  }
0x58: {  	_ =	swait.ge [sflag:s0], $0x1000  }
0x59: {  	[sflag:s0] =	ssyncset.done $0x0  }
0x5a: {  	[sflag:s0] =	ssyncadd.s32 $0xFFFFF000  }
0x5b: {  	[spmem:s23] =	stream.linear.scatter [tilespmem:s31], [sflag:$0x1], $0x1000, $0x38;
	[tilespmem:$0x19100] =	vst v63  }
0x5c: {  	_ =	swait.ge [sflag:s0], $0x1000  }
0x5d: {  	[sflag:s0] =	ssyncset.done $0x0  }
0x5e: {  	[sflag:s0] =	ssyncadd.s32 $0xFFFFF000  }
0x5f: {  	[spmem:s24] =	stream.linear.scatter [tilespmem:s31], [sflag:$0x1], $0x1000, $0x38;
	[tilespmem:$0x19100] =	vst v63  }
0x60: {  	_ =	swait.ge [sflag:s0], $0x1000  }
0x61: {  	[sflag:s0] =	ssyncset.done $0x0  }
0x62: {  	[sflag:s0] =	ssyncadd.s32 $0xFFFFF000  }
0x63: {  	[spmem:s25] =	stream.linear.scatter [tilespmem:s31], [sflag:$0x1], $0x1000, $0x38;
	[tilespmem:$0x19100] =	vst v63  }
0x64: {  	_ =	swait.ge [sflag:s0], $0x1000  }
0x65: {  	[sflag:s0] =	ssyncset.done $0x0  }
0x66: {  	[sflag:s0] =	ssyncadd.s32 $0xFFFFF000  }
0x67: {  	[spmem:s26] =	stream.linear.scatter [tilespmem:s31], [sflag:$0x1], $0x1000, $0x38;
	[tilespmem:$0x19100] =	vst v63  }
0x68: {  	_ =	swait.ge [sflag:s0], $0x1000  }
0x69: {  	[sflag:s0] =	ssyncset.done $0x0  }
0x6a: {  	[sflag:s0] =	ssyncadd.s32 $0xFFFFF000  }
0x6b: {  	[spmem:s28] =	stream.linear.scatter [tilespmem:s31], [sflag:$0x1], $0x1000, $0x38;
	[tilespmem:$0x19100] =	vst v63  }
0x6c: {  	_ =	swait.ge [sflag:s0], $0x1000  }
0x6d: {  	[sflag:s0] =	ssyncset.done $0x0  }
0x6e: {  	[sflag:s0] =	ssyncadd.s32 $0xFFFFF000  }
0x6f: {  	[spmem:s29] =	stream.linear.scatter [tilespmem:s31], [sflag:$0x1], $0x1000, $0x38;
	[tilespmem:$0x19100] =	vst v63  }
0x70: {  	_ =	swait.ge [sflag:s0], $0x1000  }
0x71: {  	s15 =	simm.s32 $0x0;
	[sflag:s0] =	ssyncset.done $0x0  }
0x72: {  	s14 =	sand.u32 $0x3C00, s15;
	[sflag:s0] =	ssyncadd.s32 $0xFFFFF000  }
0x73: {  	[spmem:s30] =	stream.linear.scatter [tilespmem:s31], [sflag:$0x1], $0x1000, $0x38;
	[tilespmem:$0x19100] =	vst v63  }
0x74: {  	s13 =	sand.u32 $0x380, s15;
	s14 =	sadd.s32 s8, s14;
	_ =	swait.ge [sflag:s0], $0x1000  }
0x75: {  	s13 =	sor.u32 s13, s14;
	[sflag:s0] =	ssyncset.done $0x0  }
0x76: {  	s13 =	sshrl.u32 s13, $0x3;
	[sflag:s0] =	ssyncadd.s32 $0xFFFFF000  }
0x77: {  	s16 =	sadd.s32 s5, s13;
	[bflag:$0x0] =	sbarrier.arrive $0xFFFF  }
0x78: {  	[tilespmem:s2], [sflag:$0x1] =	stream.linear.gather [hbm4b:s16+s3], $0x80, $0x38;
	[tilespmem:$0x19100] =	vst v63  }
0x79: {  	_ =	swait.ge [sflag:s0], $0x80  }
0x7a: {  	[sflag:s0] =	ssyncset.done $0x0  }
0x7b: {  	s13 =	sadd.s32 s6, s13;
	[sflag:s0] =	ssyncadd.s32 $0xFFFFFF80  }
0x7c: {  	[tilespmem:s9], [sflag:$0x1] =	stream.linear.gather [hbm4b:s13+s3], $0x80, $0x38;
	[tilespmem:$0x19100] =	vst v63  }
0x7d: {  	_ =	swait.ge [sflag:s0], $0x80  }
0x7e: {  	[sflag:s0] =	ssyncset.done $0x0  }
0x7f: {  	[sflag:s0] =	ssyncadd.s32 $0xFFFFFF80  }
0x80: {  	[tilespmem:s11], [sflag:$0x1] =	stream.indirect.gather [hbm4b:s4+s10], $0x80, s2, s10, $0xb8;
	[tilespmem:$0x19100] =	vst v63  }
0x81: {  	_ =	swait.ge [sflag:s0], $0x4000  }
0x82: {  	s15 =	simm.s32 $0x80;
	[sflag:s0] =	ssyncset.done $0x0  }
0x83: {  	s16 =	sand.u32 $0x3C00, s15;
	[sflag:s0] =	ssyncadd.s32 $0xFFFFC000  }
0x84: {  	[spmem:s1] =	stream.indirect.scatter.add.f32 [tilespmem:s11], [sflag:$0x1], $0x80, s9, s10, $0xb8;
	[tilespmem:$0x19100] =	vst v63  }
0x85: {  	s14 =	sadd.s32 s8, s16;
	s13 =	sand.u32 $0x380, s15;
	_ =	swait.ge [sflag:s0], $0x4000  }
0x86: {  	s14 =	sor.u32 s13, s14;
	s13 =	simm.s32 $0x100;
	[sflag:s0] =	ssyncset.done $0x0  }
.LBB2_4:
0x87: {  	s14 =	sshrl.u32 s14, $0x3  }
0x88: {  	[sflag:s0] =	ssyncadd.s32 $0xFFFFC000;
	s15 =	smov.u32 s13;
	s16 =	sadd.s32 $0x80, s13  }
0x89: {  	p0 =	sne.s32 s13, $0x2780;
	s13 =	sadd.s32 s5, s14  }
0x8a: {  	[tilespmem:s2], [sflag:$0x1] =	stream.linear.gather [hbm4b:s13+s3], $0x80, $0x38;
	[tilespmem:$0x19100] =	vst v63  }
0x8b: {  	_ =	swait.ge [sflag:s0], $0x80  }
0x8c: {  	[sflag:s0] =	ssyncset.done $0x0  }
0x8d: {  	s13 =	sadd.s32 s6, s14;
	[sflag:s0] =	ssyncadd.s32 $0xFFFFFF80  }
0x8e: {  	[tilespmem:s9], [sflag:$0x1] =	stream.linear.gather [hbm4b:s13+s3], $0x80, $0x38;
	[tilespmem:$0x19100] =	vst v63  }
0x8f: {  	_ =	swait.ge [sflag:s0], $0x80  }
0x90: {  	[sflag:s0] =	ssyncset.done $0x0  }
0x91: {  	[sflag:s0] =	ssyncadd.s32 $0xFFFFFF80  }
0x92: {  	[tilespmem:s11], [sflag:$0x1] =	stream.indirect.gather [hbm4b:s4+s10], $0x80, s2, s10, $0xb8;
	[tilespmem:$0x19100] =	vst v63  }
0x93: {  	_ =	swait.ge [sflag:s0], $0x4000  }
.Ltmp1:
0x94: {  	[sflag:s0] =	ssyncset.done $0x0;
	(pc) =	sbr.rel @p0 .LBB2_4-.Ltmp1, $4  }
0x95: {  	s13 =	sand.u32 $0x3C00, s15;
	[sflag:s0] =	ssyncadd.s32 $0xFFFFC000  }
0x96: {  	[spmem:s1] =	stream.indirect.scatter.add.f32 [tilespmem:s11], [sflag:$0x1], $0x80, s9, s10, $0xb8;
	[tilespmem:$0x19100] =	vst v63  }
0x97: {  	s14 =	sand.u32 $0x380, s15;
	s13 =	sadd.s32 s8, s13;
	_ =	swait.ge [sflag:s0], $0x4000  }
0x98: {  	s14 =	sor.u32 s14, s13;
	s13 =	smov.u32 s16;
	[sflag:s0] =	ssyncset.done $0x0  }
0x99: {  	s13 =	sshrl.u32 s14, $0x3  }
0x9a: {  	[sflag:s0] =	ssyncadd.s32 $0xFFFFC000;
	s14 =	sadd.s32 s5, s13  }
0x9b: {  	[tilespmem:s2], [sflag:$0x1] =	stream.linear.gather [hbm4b:s14+s3], $0x80, $0x38;
	[tilespmem:$0x19100] =	vst v63  }
0x9c: {  	_ =	swait.ge [sflag:s0], $0x80  }
0x9d: {  	[sflag:s0] =	ssyncset.done $0x0  }
0x9e: {  	s13 =	sadd.s32 s6, s13;
	[sflag:s0] =	ssyncadd.s32 $0xFFFFFF80  }
0x9f: {  	[tilespmem:s9], [sflag:$0x1] =	stream.linear.gather [hbm4b:s13+s3], $0x80, $0x38;
	[tilespmem:$0x19100] =	vst v63  }
0xa0: {  	_ =	swait.ge [sflag:s0], $0x80  }
0xa1: {  	[sflag:s0] =	ssyncset.done $0x0  }
0xa2: {  	[sflag:s0] =	ssyncadd.s32 $0xFFFFFF80  }
0xa3: {  	[tilespmem:s11], [sflag:$0x1] =	stream.indirect.gather [hbm4b:s4+s10], $0x80, s2, s10, $0xb8;
	[tilespmem:$0x19100] =	vst v63  }
0xa4: {  	_ =	swait.ge [sflag:s0], $0x4000  }
0xa5: {  	[sflag:s0] =	ssyncset.done $0x0  }
0xa6: {  	[sflag:s0] =	ssyncadd.s32 $0xFFFFC000  }
0xa7: {  	[spmem:s1] =	stream.indirect.scatter.add.f32 [tilespmem:s11], [sflag:$0x1], $0x80, s9, s10, $0xb8;
	[tilespmem:$0x19100] =	vst v63  }
0xa8: {  	_ =	swait.ge [sflag:s0], $0x4000  }
0xa9: {  	[sflag:s0] =	ssyncset.done $0x0  }
0xaa: {  	s15 =	stileid.u32;
	[sflag:s0] =	ssyncadd.s32 $0xFFFFC000  }
0xab: {  	s13 =	sshll.u32 s15, $0x6;
	[bflag:$0x0] =	sbarrier.arrive $0xFFFF  }
0xac: {  	s16 =	sshrl.u32 s7, $0x3;
	s13 =	sor.u32 $0x1C01, s13;
	s15 =	rddreg [dreg:$0x3]  }
0xad: {  	[hbm:s15], [sflag:s13] =	dma.local [spmem:s16], $0x2800  }
0xae: {  	_ =	swait.ge [sflag:s0], $0x2800  }
0xaf: {  	s12 =	sadd.s32 $0x1, s12;
	s16 =	rddreg [dreg:$0x4]  }
0xb0: {  	p0 =	sne.s32 s12, s16  }
.Ltmp2:
0xb1: {  	_ = 	snop;
	(pc) =	sbr.rel @p0 .LBB2_1-.Ltmp2, $3  }
0xb2: {  	_ =	sdelay $0x1  }
0xb3: {  	[sflag:s0] =	ssyncset.done $0x0  }
0xb4: {  	[sflag:s0] =	ssyncadd.s32 $0xFFFFD800  }
0xb5: {  	_ =	sfence.sel $0x180000  }
0xb6: {  	[bflag:$0x0] =	sbarrier.arrive $0xFFFF  }
0xb7: {  	_ =	strace $0x9000004D  }
0xb8: {  	s0 =	stileid.u32;
	[bflag:$0x2] =	sbarrier.arrive $0xFFFF  }
0xb9: {  	p0 =	sne.s32 s0, $0x0;
	s0 =	rddreg [dreg:$0x2]  }
0xba: {  	s0 =	sadd.s32 @!p0 $0x100000, s0  }
0xbb: {  	[sflag:s0] =	ssyncadd.tile.s32 @!p0 $0x1;
	_ =	shalt  }
.Lfunc_end2:
_tile_overlayer_lowered:
.L_overlay_start_2:
0xbc: {  	(tag) =	ssettag $0x2  }
0xbd: {  	s0 =	rddreg [dreg:$0x0];
	s2 =	stileid.u32  }
0xbe: {  	s1 =	rddreg [dreg:$0x1];
	p0 =	sne.s32 s2, $0x0  }
0xbf: {  	s3 =	rddreg [dreg:$0x2];
	[bflag:$0x3] =	sbarrier.arrive $0xFFFF;
	s2 =	simm.s32 @!p0 $0x1C01  }
0xc0: {  	[timem:s3], [sflag:s2] =	dma.local @!p0 [hbm:s0], s1  }
0xc1: {  	s0 =	simm.s32 @!p0 $0x1  }
0xc2: {  	_ =	swait.ge @!p0 [sflag:s0], s1  }
0xc3: {  	s1 =	ssub.s32 @!p0 $0x0, s1;
	[sflag:s0] =	ssyncset.done @!p0 $0x0  }
0xc4: {  	[sflag:s0] =	ssyncadd.s32 @!p0 s1  }
0xc5: {  	[bflag:$0x3] =	sbarrier.arrive $0xFFFF  }
0xc6: {  	_ =	shalt  }

// kernel: kernel.7.cloned.1.call-start
scs
__scs_entry_jumppad:
0x0: {  	(pc) =	sbr.rel $0x88, $3  }
0x1: {  	(tag) =	ssettag $0x0;
	lr =	simm.s32 $0x1  }
0x2: {  	[smem:$0x3F99] =	sst lr;
	_ =	strace $0xD0000000  }
0x3: {  	_ = 	snop  }
0x4: {  	_ = 	snop  }
0x5: {  	_ = 	snop  }
0x6: {  	_ = 	snop  }
0x7: {  	_ = 	snop  }
__scs_overlays_trampoline_lowered:
0x8: {  	[smem:$0x3FA8] =	sst s0  }
0x9: {  	[smem:$0x3FA9] =	sst s1  }
0xa: {  	[smem:$0x3FAA] =	sst s2  }
0xb: {  	[smem:$0x3FAB] =	sst s3  }
0xc: {  	[smem:$0x3FAC] =	sst s4  }
0xd: {  	[smem:$0x3FAD] =	sst s5  }
0xe: {  	[smem:$0x3FAE] =	sst s6  }
0xf: {  	[smem:$0x3FAF] =	sst s7  }
0x10: {  	[smem:$0x3FB0] =	sst s8  }
0x11: {  	[smem:$0x3FB1] =	sst s9;
	s0 =	simm.s32 @!p0 $0x0  }
0x12: {  	s1 =	sld [smem:$0x3F97];
	s0 =	simm.s32 @p0 $0x1  }
0x13: {  	[smem:$0x3FB2] =	sst s0;
	s0 =	simm.s32 @!p1 $0x0  }
0x14: {  	s2 =	sld [smem:$0x3F96];
	s0 =	simm.s32 @p1 $0x1  }
0x15: {  	[smem:$0x3FB3] =	sst s0;
	s0 =	simm.s32 @!p2 $0x0  }
0x16: {  	s3 =	sld [smem:$0x3FDB];
	s0 =	simm.s32 @p2 $0x1  }
0x17: {  	s4 =	simm.s32 $0x1BF5;
	[smem:$0x3FB5] =	sst s0  }
0x18: {  	s0 =	sld [smem:$0x3F98];
	_ =	swait.ge [sflag:s4], $0x0  }
0x19: {  	s7 =	sld [smem:$0x3F99]  }
0x1a: {  	s8 =	sadd.s32 $0xFFFFE003, lr  }
0x1b: {  	s9 =	sadd.s32 $0xFFFFFEF7, lr;
	s5 =	simm.s32 $0xFFFFFFFF;
	p2 =	slt.u32 s8, $0xFFFFF086  }
0x1c: {  	p1 =	slt.u32 s9, $0xF7A;
	s5 =	simm.s32 @!p2 $0x0  }
0x1d: {  	s5 =	simm.s32 @p1 $0x1;
	p0 =	seq.s32 s7, s2  }
0x1e: {  	s7 =	smul.u32 @!p0 $0xF7A, s2;
	p2 =	seq.s32 @!p0 s5, $0x0  }
0x1f: {  	s9 =	smul.u32 $0xF7A, s1;
	s8 =	simm.s32 @!p0 $0x1BF5;
	p2 =	por !p2, p0  }
0x20: {  	[sflag:s8] =	ssyncset.s32 @!p0 $0xFFFFF086;
	s6 =	sadd.s32 @!p0 s3, s7;
	s7 =	simm.s32 @!p0 $0x108  }
0x21: {  	s3 =	sadd.s32 s3, s9;
	s6 =	sadd.s32 @!p0 $0x88, s6;
	s7 =	simm.s32 @p2 $0x1082  }
0x22: {  	[simem:s7], [sflag:s8] =	dma.local @!p0 [hbm:s6], $0xF7A  }
0x23: {  	s9 =	sor.u32 $0xD0000000, s2;
	s6 =	simm.s32 $0x108;
	_ =	swait.ge @!p0 [sflag:s8], $0x0  }
0x24: {  	s3 =	sadd.s32 $0x88, s3;
	s6 =	simm.s32 @!p1 $0x1082;
	[sflag:s4] =	ssyncset.s32 $0xFFFFF086  }
0x25: {  	[simem:s6], [sflag:s4] =	dma.local [hbm:s3], $0xF7A  }
0x26: {  	[smem:$0x3F99] =	sst s1;
	(tag) =	ssettag s2;
	_ =	strace s9  }
0x27: {  	s1 =	sld [smem:$0x3FA9]  }
0x28: {  	s2 =	sld [smem:$0x3FAA]  }
0x29: {  	s4 =	sld [smem:$0x3FAC]  }
0x2a: {  	p0 =	seq.s32 s5, $0x0;
	s5 =	sld [smem:$0x3FAD]  }
0x2b: {  	s6 =	sld [smem:$0x3FAE]  }
0x2c: {  	s7 =	sld [smem:$0x3FAF]  }
0x2d: {  	s3 =	simm.s32 $0x108;
	s8 =	sld [smem:$0x3FB0]  }
0x2e: {  	s3 =	simm.s32 @!p0 $0x1082;
	s9 =	sld [smem:$0x3FB1]  }
0x2f: {  	lr =	sadd.s32 s0, s3;
	s0 =	sld [smem:$0x3FA8]  }
0x30: {  	s3 =	sld [smem:$0x3FAB]  }
0x31: {  	[smem:$0x3FB4] =	sst s10  }
0x32: {  	s10 =	sld [smem:$0x3FB2];
	_ =	sdelay $0x3  }
0x33: {  	p0 =	seq.s32 s10, $0x1;
	s10 =	sld [smem:$0x3FB4];
	_ =	sdelay $0x3  }
0x34: {  	[smem:$0x3FB4] =	sst s10  }
0x35: {  	s10 =	sld [smem:$0x3FB3];
	_ =	sdelay $0x3  }
0x36: {  	p1 =	seq.s32 s10, $0x1;
	s10 =	sld [smem:$0x3FB4];
	_ =	sdelay $0x3  }
0x37: {  	[smem:$0x3FB4] =	sst s10  }
0x38: {  	s10 =	sld [smem:$0x3FB5]  }
0x39: {  	_ = 	snop;
	(pc) =	sbr.ind lr, $3  }
0x3a: {  	_ = 	snop  }
0x3b: {  	_ = 	snop  }
0x3c: {  	p2 =	seq.s32 s10, $0x1;
	s10 =	sld [smem:$0x3FB4]  }
0x3d: {  	_ =	shalt  }
0x3e: {  	_ =	shalt  }
0x3f: {  	_ =	shalt  }
0x40: {  	_ =	shalt  }
0x41: {  	_ =	shalt  }
0x42: {  	_ =	shalt  }
0x43: {  	_ =	shalt  }
0x44: {  	_ =	shalt  }
0x45: {  	_ =	shalt  }
0x46: {  	_ =	shalt  }
0x47: {  	_ =	shalt  }
0x48: {  	_ =	shalt  }
0x49: {  	_ =	shalt  }
0x4a: {  	_ =	shalt  }
0x4b: {  	_ =	shalt  }
0x4c: {  	_ =	shalt  }
0x4d: {  	_ =	shalt  }
0x4e: {  	_ =	shalt  }
0x4f: {  	_ =	shalt  }
0x50: {  	_ =	shalt  }
0x51: {  	_ =	shalt  }
0x52: {  	_ =	shalt  }
0x53: {  	_ =	shalt  }
0x54: {  	_ =	shalt  }
0x55: {  	_ =	shalt  }
0x56: {  	_ =	shalt  }
0x57: {  	_ =	shalt  }
0x58: {  	_ =	shalt  }
0x59: {  	_ =	shalt  }
0x5a: {  	_ =	shalt  }
0x5b: {  	_ =	shalt  }
0x5c: {  	_ =	shalt  }
0x5d: {  	_ =	shalt  }
0x5e: {  	_ =	shalt  }
0x5f: {  	_ =	shalt  }
0x60: {  	_ =	shalt  }
0x61: {  	_ =	shalt  }
0x62: {  	_ =	shalt  }
0x63: {  	_ =	shalt  }
0x64: {  	_ =	shalt  }
0x65: {  	_ =	shalt  }
0x66: {  	_ =	shalt  }
0x67: {  	_ =	shalt  }
0x68: {  	_ =	shalt  }
0x69: {  	_ =	shalt  }
0x6a: {  	_ =	shalt  }
0x6b: {  	_ =	shalt  }
0x6c: {  	_ =	shalt  }
0x6d: {  	_ =	shalt  }
0x6e: {  	_ =	shalt  }
0x6f: {  	_ =	shalt  }
0x70: {  	_ =	shalt  }
0x71: {  	_ =	shalt  }
0x72: {  	_ =	shalt  }
0x73: {  	_ =	shalt  }
0x74: {  	_ =	shalt  }
0x75: {  	_ =	shalt  }
0x76: {  	_ =	shalt  }
0x77: {  	_ =	shalt  }
0x78: {  	_ =	shalt  }
0x79: {  	_ =	shalt  }
0x7a: {  	_ =	shalt  }
0x7b: {  	_ =	shalt  }
0x7c: {  	_ =	shalt  }
0x7d: {  	_ =	shalt  }
0x7e: {  	_ =	shalt  }
0x7f: {  	_ =	shalt  }
0x80: {  	_ =	shalt  }
0x81: {  	_ =	shalt  }
0x82: {  	_ =	shalt  }
0x83: {  	_ =	shalt  }
0x84: {  	_ =	shalt  }
0x85: {  	_ =	shalt  }
0x86: {  	_ =	shalt  }
0x87: {  	_ =	shalt  }
.Lfunc_end0:
.L_simem_size_0:
called_computation_lowered:
.L_overlay_start_0:
0x88: {  	s2 =	sld [smem:$0x3FD9]  }
0x89: {  	s3 =	sld [smem:$0x3FFE];
	_ =	sdelay $0x1  }
0x8a: {  	s1 =	srdreg.scid  }
0x8b: {  	s0 =	sand.u32 $0x1, s1  }
0x8c: {  	s17 =	sshll.u32 s0, $0xA;
	s2 =	sadd.s32 s3, s2  }
0x8d: {  	s2 =	sadd.s32 s2, s17  }
0x8e: {  	[smem:$0x3FC0] =	sst s2  }
0x8f: {  	_ = 	snop  }
0x90: {  	(tm) =	ssettm $0x1  }
0x91: {  	s18 =	sld [smem:$0x3FFB];
	_ =	sdelay $0x3  }
0x92: {  	_ =	strace s18  }
0x93: {  	s2 =	sld [smem:$0x3FFC];
	_ =	sdelay $0x3  }
0x94: {  	_ =	strace s2  }
0x95: {  	s2 =	sld [smem:$0x3FFD];
	_ =	sdelay $0x3  }
0x96: {  	_ =	strace s2  }
0x97: {  	_ =	strace $0x8FFFFFFF  }
0x98: {  	s19 =	sld [smem:$0x3FDB];
	_ =	sdelay $0x1  }
0x99: {  	s20 =	simm.s32 $_scs_section_size  }
0x9a: {  	s4 =	simm.s32 $_size__tile_overlayer_lowered;
	s5 =	simm.s32 $_tile_overlayer_lowered  }
0x9b: {  	s6 =	simm.s32 $0x1BFF;
	s21 =	sshll.u32 s5, $0x1;
	s3 =	sadd.s32 s20, s19  }
0x9c: {  	s22 =	simm.s32 $0x0;
	s4 =	sshll.u32 s4, $0x1;
	s5 =	sadd.s32 s21, s3  }
0x9d: {  	[timem:s22], [sflag:s6] =	dma.local [hbm:s5], s4  }
0x9e: {  	_ =	swait.ge [sflag:s6], s4  }
0x9f: {  	s4 =	ssub.s32 $0x0, s4;
	[sflag:s6] =	ssyncset.done $0x0  }
0xa0: {  	[sflag:s6] =	ssyncadd.s32 s4;
	_ =	sdelay $0x1  }
0xa1: {  	s23 =	simm.s32 $0x1B8B  }
0xa2: {  	_ =	swait.ge [sflag:s23], $0x1  }
0xa3: {  	[sflag:s23] =	ssyncset.done $0x0  }
0xa4: {  	[sflag:s23] =	ssyncadd.s32 $0xFFFFFFFF  }
0xa5: {  	s4 =	sld [smem:$0x0]  }
0xa6: {  	s5 =	sand.u32 $0xFFFFFFFE, s1  }
0xa7: {  	p0 =	sne.s32 s1, s5  }
0xa8: {  	s5 =	sshll.u32 @p0 s5, $0xE  }
0xa9: {  	s5 =	sadd.s32 @p0 $0x11B8D, s5;
	s6 =	sshll.u32 @p0 s4, $0x11  }
0xaa: {  	s5 =	sor.u32 @p0 s6, s5  }
0xab: {  	[sflag:s5] =	ssyncadd.remote.s32 @p0 $0x1;
	_ =	sdelay $0x1  }
0xac: {  	s5 =	simm.s32 @p0 $0x1B8D  }
0xad: {  	_ =	swait.eq @p0 [sflag:s5], $0x1  }
0xae: {  	[sflag:s5] =	ssyncadd.s32 @p0 $0xFFFFFFFF  }
0xaf: {  	s6 =	sshll.u32 @!p0 s1, $0xE  }
0xb0: {  	s6 =	sor.u32 @!p0 $0x4000, s6;
	s5 =	simm.s32 @!p0 $0x1B8D  }
0xb1: {  	s4 =	sshll.u32 @!p0 s4, $0x11;
	s6 =	sadd.s32 @!p0 $0x11B8D, s6;
	_ =	swait.eq @!p0 [sflag:s5], $0x1  }
0xb2: {  	s4 =	sor.u32 @!p0 s4, s6;
	[sflag:s5] =	ssyncadd.s32 @!p0 $0xFFFFFFFF  }
0xb3: {  	s25 =	simm.s32 $0x1B8E;
	s24 =	sld [smem:$0x3FFE];
	[sflag:s4] =	ssyncadd.remote.s32 @!p0 $0x1  }
0xb4: {  	s26 =	simm.s32 $execute0_lowered;
	[smem:$0x3FD2] =	sst s25  }
0xb5: {  	s5 =	sshll.u32 s26, $0x1;
	_ =	strace $0x80000049;
	[dreg:$0x1] =	wrdreg $0xFFFFFFFF  }
0xb6: {  	s28 =	simm.s32 $_size_execute0_lowered;
	s3 =	sadd.s32 s3, s5;
	[dreg:$0x0] =	wrdreg $0x0  }
0xb7: {  	s5 =	sshll.u32 s28, $0x1;
	[dreg:$0x2] =	wrdreg s3  }
0xb8: {  	[dreg:$0x3] =	wrdreg s5  }
0xb9: {  	[dreg:$0x4] =	wrdreg $0xC0  }
0xba: {  	_ =	task [dreg:s22], $0x5FFFF  }
0xbb: {  	[dreg:$0x1] =	wrdreg $0xFFFFFFFF  }
0xbc: {  	[dreg:$0x0] =	wrdreg $0x60  }
0xbd: {  	[dreg:$0x2] =	wrdreg s24  }
0xbe: {  	[dreg:$0x3] =	wrdreg $0x0  }
0xbf: {  	[dreg:$0x4] =	wrdreg $0x9  }
0xc0: {  	_ =	task.clear_ibuf [dreg:s22], $0x5FFFF;
	_ =	strace $0x90000049  }
0xc1: {  	s29 =	simm.s32 $0x9;
	_ =	strace $0x8000004B  }
0xc2: {  	_ =	swait.ge [sflag:s29], $0x1  }
0xc3: {  	[sflag:s29] =	ssyncadd.s32 $0xFFFFFFFF  }
0xc4: {  	_ =	strace $0x9000004B  }
0xc5: {  	_ =	sfence  }
0xc6: {  	s30 =	sld [smem:$0x0];
	_ =	sdelay $0x2  }
0xc7: {  	s31 =	sshll.u32 s1, $0xD;
	s1 =	sshrl.u32 s1, $0x2  }
0xc8: {  	s4 =	sand.u32 $0x4000, s31;
	s1 =	sadd.s32 s1, s30  }
0xc9: {  	s0 =	sor.u32 s4, s0;
	s1 =	sshll.u32 s1, $0x11  }
0xca: {  	s0 =	sor.u32 s1, s0  }
0xcb: {  	s0 =	sadd.s32 $0x8F2B, s0  }
0xcc: {  	[sflag:s0] =	ssyncadd.remote.s32 $0x1  }
0xcd: {  	_ =	sfence.sel $0xFFFF  }
0xce: {  	[dreg:$0x0] =	wrdreg $0xFFFFFFFF;
	(pc) =	sbr.abs _section_cstart, $3  }
0xcf: {  	[dreg:$0x1] =	wrdreg $0xFFFFFFFF  }
0xd0: {  	_ =	task.clear_ibuf [dreg:s22], $0x2FFFF;
	_ =	strace $0x9FFFFFFF  }
0xd1: {  	(tm) =	ssettm $0x7FFFFFFF  }
tec
execute0_lowered:
.L_overlay_start_1:
0x0: {  	(tag) =	ssettag $0x1  }
0x1: {  	s0 =	rddreg [dreg:$0x0];
	s1 =	srdreg.scid  }
0x2: {  	s2 =	rddreg [dreg:$0x1];
	s7 =	stileid.u32  }
0x3: {  	s3 =	simm.s32 $0x0;
	s29 =	simm.s32 $0x18080;
	s30 =	simm.s32 $0x1  }
0x4: {  	s31 =	simm.s32 $0x14000;
	s1 =	sand.u32 $0x1, s1;
	s5 =	smul.u32 $0x14000, s7  }
0x5: {  	[smem:$0x7FF] =	sst s3;
	s6 =	smul.u32 $0x50000, s7;
	s7 =	sshll.u32 s7, $0x1  }
0x6: {  	s4 =	smul.u32 $0x140000, s1;
	_ =	strace $0x8000004A;
	s21 =	ssub.s32 $0x2, s1  }
0x7: {  	s1 =	sor.u32 s1, s7;
	s7 =	simm.s32 $0x0;
	s8 =	sshrl.u32 s21, $0x1  }
0x8: {  	s6 =	sshrl.u32 s6, $0x2;
	s5 =	sadd.s32 s5, s4;
	s22 =	ssub.s32 s21, s8  }
0x9: {  	s4 =	sadd.s32 $0x2A600, s0;
	s5 =	sshrl.u32 s5, $0x3;
	s23 =	smax.u32 s22, $0x1  }
0xa: {  	s0 =	sadd.s32 s5, s0;
	s5 =	sadd.s32 s6, s2;
	s6 =	smul.u32 $0x2800, s1  }
0xb: {  	[dreg:$0x4] =	wrdreg s23;
	s1 =	simm.s32 $0x14080;
	s0 =	sadd.s32 $0x8E600, s0  }
0xc: {  	s24 =	sadd.s32 $0x1000, s5;
	s25 =	sadd.s32 $0x2000, s5;
	s26 =	sadd.s32 $0x3000, s5  }
0xd: {  	s12 =	sadd.s32 $0x4000, s5;
	s13 =	sadd.s32 $0x5000, s5;
	s14 =	sadd.s32 $0x6000, s5  }
0xe: {  	s15 =	sadd.s32 $0x7000, s5;
	s16 =	sadd.s32 $0x8000, s5;
	s17 =	sadd.s32 $0x9000, s5  }
0xf: {  	s18 =	sadd.s32 $0xA000, s5;
	s19 =	sadd.s32 $0xB000, s5;
	[dreg:$0x3] =	wrdreg s0  }
0x10: {  	s20 =	sadd.s32 $0xC000, s5;
	s21 =	sadd.s32 $0xD000, s5;
	[dreg:$0x5] =	wrdreg s24  }
0x11: {  	s22 =	sadd.s32 $0xE000, s5;
	s23 =	sadd.s32 $0xF000, s5;
	[dreg:$0x6] =	wrdreg s25  }
0x12: {  	s28 =	sadd.s32 $0x13000, s5;
	[dreg:$0x7] =	wrdreg s26;
	s24 =	sadd.s32 $0x10000, s5  }
0x13: {  	v0 =	vimm.f32 $1.000000000e+00;
	v1 =	vimm.f32 $0.0e+00;
	s25 =	sadd.s32 $0x11000, s5;
	s26 =	sadd.s32 $0x12000, s5;
	s0 =	simm.s32 $0x80  }
.LBB2_1:
0x14: {  	s8 =	simm.s32 $0x140C0  }
0x15: {  	s9 =	sand.u32 $0xF80, s3;
	[tilespmem:s8+$0xFFFFFFC0] =	vst v0  }
0x16: {  	[tilespmem:s9+$0x18080] =	vst v1  }
0x17: {  	[tilespmem:s8+$0xFFFFFFD0] =	vst v0  }
0x18: {  	[tilespmem:s9+$0x18090] =	vst v1  }
0x19: {  	[tilespmem:s8+$0xFFFFFFE0] =	vst v0  }
0x1a: {  	[tilespmem:s9+$0x180A0] =	vst v1  }
0x1b: {  	[tilespmem:s8+$0xFFFFFFF0] =	vst v0  }
0x1c: {  	[tilespmem:s9+$0x180B0] =	vst v1  }
0x1d: {  	[tilespmem:s8+$0x0] =	vst v0  }
0x1e: {  	[tilespmem:s9+$0x180C0] =	vst v1  }
0x1f: {  	[tilespmem:s8+$0x10] =	vst v0  }
0x20: {  	[tilespmem:s9+$0x180D0] =	vst v1  }
0x21: {  	[tilespmem:s8+$0x20] =	vst v0  }
0x22: {  	[tilespmem:s9+$0x180E0] =	vst v1  }
0x23: {  	s10 =	simm.s32 $0x80;
	[tilespmem:s8+$0x30] =	vst v0  }
.LBB2_2:
0x24: {  	p0 =	sne.s32 s10, $0x3F80;
	[tilespmem:s9+$0x180F0] =	vst v1;
	s8 =	sadd.s32 $0x80, s8  }
0x25: {  	s9 =	sand.u32 $0xF80, s10;
	[tilespmem:s8+$0xFFFFFFC0] =	vst v0  }
0x26: {  	[tilespmem:s9+$0x18080] =	vst v1  }
0x27: {  	[tilespmem:s8+$0xFFFFFFD0] =	vst v0  }
0x28: {  	[tilespmem:s9+$0x18090] =	vst v1  }
0x29: {  	[tilespmem:s8+$0xFFFFFFE0] =	vst v0  }
0x2a: {  	[tilespmem:s9+$0x180A0] =	vst v1  }
0x2b: {  	[tilespmem:s8+$0xFFFFFFF0] =	vst v0  }
0x2c: {  	[tilespmem:s9+$0x180B0] =	vst v1  }
0x2d: {  	[tilespmem:s8+$0x0] =	vst v0  }
0x2e: {  	[tilespmem:s9+$0x180C0] =	vst v1  }
.Ltmp0:
0x2f: {  	[tilespmem:s8+$0x10] =	vst v0;
	(pc) =	sbr.rel @p0 .LBB2_2-.Ltmp0, $4  }
0x30: {  	[tilespmem:s9+$0x180D0] =	vst v1  }
0x31: {  	[tilespmem:s8+$0x20] =	vst v0  }
0x32: {  	[tilespmem:s9+$0x180E0] =	vst v1  }
0x33: {  	s10 =	sadd.s32 $0x80, s10;
	[tilespmem:s8+$0x30] =	vst v0  }
0x34: {  	[tilespmem:s9+$0x180F0] =	vst v1  }
0x35: {  	[spmem:s5] =	stream.linear.scatter [tilespmem:s29], [sflag:$0x1], $0x1000, $0x38;
	[tilespmem:$0x19080] =	vst v63  }
0x36: {  	_ =	swait.ge [sflag:s30], $0x1000  }
0x37: {  	[sflag:s30] =	ssyncset.done $0x0  }
0x38: {  	s8 =	rddreg [dreg:$0x5];
	[sflag:s30] =	ssyncadd.s32 $0xFFFFF000  }
0x39: {  	[spmem:s8] =	stream.linear.scatter [tilespmem:s29], [sflag:$0x1], $0x1000, $0x38;
	[tilespmem:$0x19080] =	vst v63  }
0x3a: {  	_ =	swait.ge [sflag:s30], $0x1000  }
0x3b: {  	[sflag:s30] =	ssyncset.done $0x0  }
0x3c: {  	s11 =	rddreg [dreg:$0x6];
	[sflag:s30] =	ssyncadd.s32 $0xFFFFF000  }
0x3d: {  	[spmem:s11] =	stream.linear.scatter [tilespmem:s29], [sflag:$0x1], $0x1000, $0x38;
	[tilespmem:$0x19080] =	vst v63  }
0x3e: {  	_ =	swait.ge [sflag:s30], $0x1000  }
0x3f: {  	[sflag:s30] =	ssyncset.done $0x0  }
0x40: {  	s9 =	rddreg [dreg:$0x7];
	[sflag:s30] =	ssyncadd.s32 $0xFFFFF000  }
0x41: {  	[spmem:s9] =	stream.linear.scatter [tilespmem:s29], [sflag:$0x1], $0x1000, $0x38;
	[tilespmem:$0x19080] =	vst v63  }
0x42: {  	_ =	swait.ge [sflag:s30], $0x1000  }
0x43: {  	[sflag:s30] =	ssyncset.done $0x0  }
0x44: {  	[sflag:s30] =	ssyncadd.s32 $0xFFFFF000  }
0x45: {  	[spmem:s12] =	stream.linear.scatter [tilespmem:s29], [sflag:$0x1], $0x1000, $0x38;
	[tilespmem:$0x19080] =	vst v63  }
0x46: {  	_ =	swait.ge [sflag:s30], $0x1000  }
0x47: {  	[sflag:s30] =	ssyncset.done $0x0  }
0x48: {  	[sflag:s30] =	ssyncadd.s32 $0xFFFFF000  }
0x49: {  	[spmem:s13] =	stream.linear.scatter [tilespmem:s29], [sflag:$0x1], $0x1000, $0x38;
	[tilespmem:$0x19080] =	vst v63  }
0x4a: {  	_ =	swait.ge [sflag:s30], $0x1000  }
0x4b: {  	[sflag:s30] =	ssyncset.done $0x0  }
0x4c: {  	[sflag:s30] =	ssyncadd.s32 $0xFFFFF000  }
0x4d: {  	[spmem:s14] =	stream.linear.scatter [tilespmem:s29], [sflag:$0x1], $0x1000, $0x38;
	[tilespmem:$0x19080] =	vst v63  }
0x4e: {  	_ =	swait.ge [sflag:s30], $0x1000  }
0x4f: {  	[sflag:s30] =	ssyncset.done $0x0  }
0x50: {  	[sflag:s30] =	ssyncadd.s32 $0xFFFFF000  }
0x51: {  	[spmem:s15] =	stream.linear.scatter [tilespmem:s29], [sflag:$0x1], $0x1000, $0x38;
	[tilespmem:$0x19080] =	vst v63  }
0x52: {  	_ =	swait.ge [sflag:s30], $0x1000  }
0x53: {  	[sflag:s30] =	ssyncset.done $0x0  }
0x54: {  	[sflag:s30] =	ssyncadd.s32 $0xFFFFF000  }
0x55: {  	[spmem:s16] =	stream.linear.scatter [tilespmem:s29], [sflag:$0x1], $0x1000, $0x38;
	[tilespmem:$0x19080] =	vst v63  }
0x56: {  	_ =	swait.ge [sflag:s30], $0x1000  }
0x57: {  	[sflag:s30] =	ssyncset.done $0x0  }
0x58: {  	[sflag:s30] =	ssyncadd.s32 $0xFFFFF000  }
0x59: {  	[spmem:s17] =	stream.linear.scatter [tilespmem:s29], [sflag:$0x1], $0x1000, $0x38;
	[tilespmem:$0x19080] =	vst v63  }
0x5a: {  	_ =	swait.ge [sflag:s30], $0x1000  }
0x5b: {  	[sflag:s30] =	ssyncset.done $0x0  }
0x5c: {  	[sflag:s30] =	ssyncadd.s32 $0xFFFFF000  }
0x5d: {  	[spmem:s18] =	stream.linear.scatter [tilespmem:s29], [sflag:$0x1], $0x1000, $0x38;
	[tilespmem:$0x19080] =	vst v63  }
0x5e: {  	_ =	swait.ge [sflag:s30], $0x1000  }
0x5f: {  	[sflag:s30] =	ssyncset.done $0x0  }
0x60: {  	[sflag:s30] =	ssyncadd.s32 $0xFFFFF000  }
0x61: {  	[spmem:s19] =	stream.linear.scatter [tilespmem:s29], [sflag:$0x1], $0x1000, $0x38;
	[tilespmem:$0x19080] =	vst v63  }
0x62: {  	_ =	swait.ge [sflag:s30], $0x1000  }
0x63: {  	[sflag:s30] =	ssyncset.done $0x0  }
0x64: {  	[sflag:s30] =	ssyncadd.s32 $0xFFFFF000  }
0x65: {  	[spmem:s20] =	stream.linear.scatter [tilespmem:s29], [sflag:$0x1], $0x1000, $0x38;
	[tilespmem:$0x19080] =	vst v63  }
0x66: {  	_ =	swait.ge [sflag:s30], $0x1000  }
0x67: {  	[sflag:s30] =	ssyncset.done $0x0  }
0x68: {  	[sflag:s30] =	ssyncadd.s32 $0xFFFFF000  }
0x69: {  	[spmem:s21] =	stream.linear.scatter [tilespmem:s29], [sflag:$0x1], $0x1000, $0x38;
	[tilespmem:$0x19080] =	vst v63  }
0x6a: {  	_ =	swait.ge [sflag:s30], $0x1000  }
0x6b: {  	[sflag:s30] =	ssyncset.done $0x0  }
0x6c: {  	[sflag:s30] =	ssyncadd.s32 $0xFFFFF000  }
0x6d: {  	[spmem:s22] =	stream.linear.scatter [tilespmem:s29], [sflag:$0x1], $0x1000, $0x38;
	[tilespmem:$0x19080] =	vst v63  }
0x6e: {  	_ =	swait.ge [sflag:s30], $0x1000  }
0x6f: {  	[sflag:s30] =	ssyncset.done $0x0  }
0x70: {  	[sflag:s30] =	ssyncadd.s32 $0xFFFFF000  }
0x71: {  	[spmem:s23] =	stream.linear.scatter [tilespmem:s29], [sflag:$0x1], $0x1000, $0x38;
	[tilespmem:$0x19080] =	vst v63  }
0x72: {  	_ =	swait.ge [sflag:s30], $0x1000  }
0x73: {  	[sflag:s30] =	ssyncset.done $0x0  }
0x74: {  	[sflag:s30] =	ssyncadd.s32 $0xFFFFF000  }
0x75: {  	[spmem:s24] =	stream.linear.scatter [tilespmem:s29], [sflag:$0x1], $0x1000, $0x38;
	[tilespmem:$0x19080] =	vst v63  }
0x76: {  	_ =	swait.ge [sflag:s30], $0x1000  }
0x77: {  	[sflag:s30] =	ssyncset.done $0x0  }
0x78: {  	[sflag:s30] =	ssyncadd.s32 $0xFFFFF000  }
0x79: {  	[spmem:s25] =	stream.linear.scatter [tilespmem:s29], [sflag:$0x1], $0x1000, $0x38;
	[tilespmem:$0x19080] =	vst v63  }
0x7a: {  	_ =	swait.ge [sflag:s30], $0x1000  }
0x7b: {  	[sflag:s30] =	ssyncset.done $0x0  }
0x7c: {  	[sflag:s30] =	ssyncadd.s32 $0xFFFFF000  }
0x7d: {  	[spmem:s26] =	stream.linear.scatter [tilespmem:s29], [sflag:$0x1], $0x1000, $0x38;
	[tilespmem:$0x19080] =	vst v63  }
0x7e: {  	_ =	swait.ge [sflag:s30], $0x1000  }
0x7f: {  	s10 =	simm.s32 $0x0;
	[sflag:s30] =	ssyncset.done $0x0  }
0x80: {  	s11 =	sand.u32 $0x3C00, s10;
	[sflag:s30] =	ssyncadd.s32 $0xFFFFF000  }
0x81: {  	[spmem:s28] =	stream.linear.scatter [tilespmem:s29], [sflag:$0x1], $0x1000, $0x38;
	[tilespmem:$0x19080] =	vst v63  }
0x82: {  	s8 =	sand.u32 $0x380, s10;
	s9 =	sadd.s32 s6, s11;
	_ =	swait.ge [sflag:s30], $0x1000  }
0x83: {  	s8 =	sor.u32 s8, s9;
	[sflag:s30] =	ssyncset.done $0x0  }
0x84: {  	s8 =	sshrl.u32 s8, $0x3;
	[sflag:s30] =	ssyncadd.s32 $0xFFFFF000  }
0x85: {  	s8 =	sadd.s32 s4, s8;
	[bflag:$0x0] =	sbarrier.arrive $0xFFFF  }
0x86: {  	[tilespmem:s31], [sflag:$0x1] =	stream.linear.gather [hbm4b:s8+s3], $0x80, $0x38;
	[tilespmem:$0x19080] =	vst v63  }
0x87: {  	_ =	swait.ge [sflag:s30], $0x80  }
0x88: {  	s10 =	simm.s32 $0x80;
	[sflag:s30] =	ssyncset.done $0x0  }
0x89: {  	s11 =	sand.u32 $0x3C00, s10;
	[sflag:s30] =	ssyncadd.s32 $0xFFFFFF80  }
0x8a: {  	[spmem:s2] =	stream.indirect.scatter.add.f32 [tilespmem:s1], [sflag:$0x1], $0x80, s31, s0, $0xb8;
	[tilespmem:$0x19080] =	vst v63  }
0x8b: {  	s9 =	sadd.s32 s6, s11;
	s8 =	sand.u32 $0x380, s10;
	_ =	swait.ge [sflag:s30], $0x4000  }
0x8c: {  	s9 =	sor.u32 s8, s9;
	s8 =	simm.s32 $0x100;
	[sflag:s30] =	ssyncset.done $0x0  }
.LBB2_4:
0x8d: {  	s9 =	sshrl.u32 s9, $0x3  }
0x8e: {  	[sflag:s30] =	ssyncadd.s32 $0xFFFFC000;
	s10 =	smov.u32 s8;
	s11 =	sadd.s32 $0x80, s8  }
0x8f: {  	p0 =	sne.s32 s8, $0x2780;
	s8 =	sadd.s32 s4, s9  }
0x90: {  	[tilespmem:s31], [sflag:$0x1] =	stream.linear.gather [hbm4b:s8+s3], $0x80, $0x38;
	[tilespmem:$0x19080] =	vst v63  }
0x91: {  	_ =	swait.ge [sflag:s30], $0x80  }
.Ltmp1:
0x92: {  	[sflag:s30] =	ssyncset.done $0x0;
	(pc) =	sbr.rel @p0 .LBB2_4-.Ltmp1, $4  }
0x93: {  	s8 =	sand.u32 $0x3C00, s10;
	[sflag:s30] =	ssyncadd.s32 $0xFFFFFF80  }
0x94: {  	[spmem:s2] =	stream.indirect.scatter.add.f32 [tilespmem:s1], [sflag:$0x1], $0x80, s31, s0, $0xb8;
	[tilespmem:$0x19080] =	vst v63  }
0x95: {  	s9 =	sand.u32 $0x380, s10;
	s8 =	sadd.s32 s6, s8;
	_ =	swait.ge [sflag:s30], $0x4000  }
0x96: {  	s9 =	sor.u32 s9, s8;
	s8 =	smov.u32 s11;
	[sflag:s30] =	ssyncset.done $0x0  }
0x97: {  	s8 =	sshrl.u32 s9, $0x3  }
0x98: {  	[sflag:s30] =	ssyncadd.s32 $0xFFFFC000;
	s8 =	sadd.s32 s4, s8  }
0x99: {  	[tilespmem:s31], [sflag:$0x1] =	stream.linear.gather [hbm4b:s8+s3], $0x80, $0x38;
	[tilespmem:$0x19080] =	vst v63  }
0x9a: {  	_ =	swait.ge [sflag:s30], $0x80  }
0x9b: {  	[sflag:s30] =	ssyncset.done $0x0  }
0x9c: {  	[sflag:s30] =	ssyncadd.s32 $0xFFFFFF80  }
0x9d: {  	[spmem:s2] =	stream.indirect.scatter.add.f32 [tilespmem:s1], [sflag:$0x1], $0x80, s31, s0, $0xb8;
	[tilespmem:$0x19080] =	vst v63  }
0x9e: {  	_ =	swait.ge [sflag:s30], $0x4000  }
0x9f: {  	[sflag:s30] =	ssyncset.done $0x0  }
0xa0: {  	s10 =	stileid.u32;
	[sflag:s30] =	ssyncadd.s32 $0xFFFFC000  }
0xa1: {  	s8 =	sshll.u32 s10, $0x6;
	[bflag:$0x0] =	sbarrier.arrive $0xFFFF  }
0xa2: {  	s11 =	sshrl.u32 s5, $0x3;
	s8 =	sor.u32 $0x1C01, s8;
	s10 =	rddreg [dreg:$0x3]  }
0xa3: {  	[hbm:s10], [sflag:s8] =	dma.local [spmem:s11], $0x2800  }
0xa4: {  	_ =	swait.ge [sflag:s30], $0x2800  }
0xa5: {  	s7 =	sadd.s32 $0x1, s7;
	s11 =	rddreg [dreg:$0x4]  }
0xa6: {  	p0 =	sne.s32 s7, s11  }
.Ltmp2:
0xa7: {  	_ = 	snop;
	(pc) =	sbr.rel @p0 .LBB2_1-.Ltmp2, $3  }
0xa8: {  	_ =	sdelay $0x1  }
0xa9: {  	[sflag:s30] =	ssyncset.done $0x0  }
0xaa: {  	[sflag:s30] =	ssyncadd.s32 $0xFFFFD800  }
0xab: {  	_ =	sfence.sel $0x180000  }
0xac: {  	[bflag:$0x0] =	sbarrier.arrive $0xFFFF  }
0xad: {  	_ =	strace $0x9000004A  }
0xae: {  	s0 =	stileid.u32;
	[bflag:$0x2] =	sbarrier.arrive $0xFFFF  }
0xaf: {  	p0 =	sne.s32 s0, $0x0;
	s0 =	rddreg [dreg:$0x2]  }
0xb0: {  	s0 =	sadd.s32 @!p0 $0x100000, s0  }
0xb1: {  	[sflag:s0] =	ssyncadd.tile.s32 @!p0 $0x1;
	_ =	shalt  }
.Lfunc_end2:
_tile_overlayer_lowered:
.L_overlay_start_2:
0xb2: {  	(tag) =	ssettag $0x2  }
0xb3: {  	s0 =	rddreg [dreg:$0x0];
	s2 =	stileid.u32  }
0xb4: {  	s1 =	rddreg [dreg:$0x1];
	p0 =	sne.s32 s2, $0x0  }
0xb5: {  	s3 =	rddreg [dreg:$0x2];
	[bflag:$0x3] =	sbarrier.arrive $0xFFFF;
	s2 =	simm.s32 @!p0 $0x1C01  }
0xb6: {  	[timem:s3], [sflag:s2] =	dma.local @!p0 [hbm:s0], s1  }
0xb7: {  	s0 =	simm.s32 @!p0 $0x1  }
0xb8: {  	_ =	swait.ge @!p0 [sflag:s0], s1  }
0xb9: {  	s1 =	ssub.s32 @!p0 $0x0, s1;
	[sflag:s0] =	ssyncset.done @!p0 $0x0  }
0xba: {  	[sflag:s0] =	ssyncadd.s32 @!p0 s1  }
0xbb: {  	[bflag:$0x3] =	sbarrier.arrive $0xFFFF  }
0xbc: {  	_ =	shalt  }

</sc_bundles>
